<compile_context>
chip_gen: v7x
topology: tpu7x:2x2x1
jax: 0.10.2.dev20260603
libtpu: 0.0.44.dev20260713+nightly
codegen_flags: <defaults>
</compile_context>

<pallas_src>
import jax
import jax.numpy as jnp
from jax import lax
from jax.experimental import pallas as pl
from jax.experimental.pallas import tpu as pltpu
from jax.experimental.pallas import tpu_sc as plsc

IN_F = 6
OUT_F = 11
LANES = 16
IMG_SIZE = 128


def _make_body(nc, rows_per_worker, n_rows):
    def body(x_hbm, out_hbm, in_v, out_v, sem):
        wid = lax.axis_index("s") * nc + lax.axis_index("c")
        row0 = wid * rows_per_worker

        in_copies = [
            pltpu.async_copy(
                x_hbm.at[pl.ds(f * n_rows + row0, rows_per_worker)],
                in_v.at[pl.ds(f * rows_per_worker, rows_per_worker)],
                sem,
            )
            for f in range(IN_F)
        ]
        for c in in_copies:
            c.wait()

        prob_copy = pltpu.async_copy(
            in_v.at[pl.ds(4 * rows_per_worker, rows_per_worker)],
            out_hbm.at[pl.ds(10 * n_rows + row0, rows_per_worker)],
            sem,
        )

        inv = jnp.float32(1.0 / IMG_SIZE)
        zero = jnp.zeros((LANES,), jnp.float32)

        @plsc.parallel_loop(0, rows_per_worker, LANES, unroll=1)
        def _chunk(o):
            g = [in_v[pl.ds(f * rows_per_worker + o, LANES)] for f in range(IN_F)]
            prob = g[4]
            cid = g[5].astype(jnp.int32)
            cid = jnp.minimum(jnp.maximum(cid, 0), 8)
            c = (cid >= 3).astype(jnp.int32) + (cid >= 6).astype(jnp.int32)
            s = cid - 3 * c
            outs = (
                g[0] * inv, g[1] * inv, g[2] * inv, g[3] * inv,
                jnp.where(c == 0, prob, zero),
                jnp.where(c == 1, prob, zero),
                jnp.where(c == 2, prob, zero),
                jnp.where(s == 0, prob, zero),
                jnp.where(s == 1, prob, zero),
                jnp.where(s == 2, prob, zero),
            )
            for f in range(OUT_F - 1):
                out_v[pl.ds(f * rows_per_worker + o, LANES)] = outs[f]

        out_copies = [
            pltpu.async_copy(
                out_v.at[pl.ds(f * rows_per_worker, rows_per_worker)],
                out_hbm.at[pl.ds(f * n_rows + row0, rows_per_worker)],
                sem,
            )
            for f in range(OUT_F - 1)
        ]
        for c in out_copies:
            c.wait()
        prob_copy.wait()

    return body


def kernel(x):
    n, obj_num, feat = x.shape
    rows = n * obj_num
    mesh = plsc.VectorSubcoreMesh(core_axis_name="c", subcore_axis_name="s")
    nw = mesh.num_cores * mesh.num_subcores
    rows_per_worker = rows // nw

    k = pl.kernel(
        _make_body(mesh.num_cores, rows_per_worker, rows),
        out_type=jax.ShapeDtypeStruct((rows * OUT_F,), jnp.float32),
        mesh=mesh,
        compiler_params=pltpu.CompilerParams(needs_layout_passes=False),
        scratch_types=[
            pltpu.VMEM((rows_per_worker * IN_F,), jnp.float32),
            pltpu.VMEM((rows_per_worker * OUT_F,), jnp.float32),
            pltpu.SemaphoreType.DMA,
        ],
    )
    xt = jnp.transpose(x, (2, 1, 0)).reshape(-1)
    out_flat = k(xt)
    return jnp.transpose(out_flat.reshape(OUT_F, obj_num, n), (2, 1, 0))

# --- scband reference (transcript-rebuilt; emitter-appended) ---
"""Pipeline reference for scband-michalski-preprocess-89086211654081 (READ-ONLY COPY).

The authoritative reference and input builder live on the scoring server;
editing this copy changes nothing except your own understanding.
"""

import jax, jax.numpy as jnp
import numpy as np

IMG_SIZE = 128

def setup_inputs(seed: int = 0) -> dict:
    key = jax.random.key(seed)
    x = jax.random.uniform(key, (16384, 1, 6), dtype=jnp.float32)
    return {"x": x}

def reference(x):
    colors = jnp.array([[1, 0, 0], [1, 0, 0], [1, 0, 0],
                        [0, 1, 0], [0, 1, 0], [0, 1, 0],
                        [0, 0, 1], [0, 0, 1], [0, 0, 1]], dtype=x.dtype)
    shapes = jnp.array([[1, 0, 0], [0, 1, 0], [0, 0, 1],
                        [1, 0, 0], [0, 1, 0], [0, 0, 1],
                        [1, 0, 0], [0, 1, 0], [0, 0, 1]], dtype=x.dtype)
    obj_num = x.shape[1]
    outs = []
    for i in range(obj_num):
        zi = x[:, i]
        class_id = zi[:, -1].astype(jnp.int32)
        prob = zi[:, -2][:, None]
        color = jnp.take(colors, class_id, axis=0) * prob
        shape = jnp.take(shapes, class_id, axis=0) * prob
        xyxy = zi[:, 0:4] / IMG_SIZE
        outs.append(jnp.concatenate([xyxy, color, shape, prob], axis=-1))
    return jnp.stack(outs, axis=1)

if __name__ == "__main__":
    import jax
    _d = setup_inputs()
    print(jax.jit(kernel)(*tuple(_d.values())))

</pallas_src>

<mosaic_0001>
#map = affine_map<(d0, d1) -> (0)>
module attributes {stable_mosaic.version = 14 : i64} {
  func.func @body(%arg0: i32, %arg1: i32, %arg2: memref<98304xf32, #tpu.memory_space<hbm>>, %arg3: memref<180224xf32, #tpu.memory_space<hbm>>, %arg4: memref<3072xf32, #tpu.memory_space<vmem>>, %arg5: memref<5632xf32, #tpu.memory_space<vmem>>, %arg6: memref<!tpu.dma_semaphore, #tpu.memory_space<semaphore_mem>>) attributes {dimension_semantics = [#tpu.dimension_semantics<core_parallel>, #tpu.dimension_semantics<subcore_parallel>], iteration_bounds = array<i64: 2, 16>, scalar_prefetch = 0 : i64, scratch_operands = 3 : i64, tpu.core_type = #tpu.core_type<sc_vector_subcore>, window_params = [{transform_indices = #map}, {transform_indices = #map}]} {
    %mul3A = arith.constant 2 : i32
    %mul3A_0 = arith.muli %arg1, %mul3A : i32
    %add3A = arith.addi %mul3A_0, %arg0 : i32
    %mul3A_1 = arith.constant 512 : i32
    %mul3A_2 = arith.muli %add3A, %mul3A_1 : i32
    %add3A_3 = arith.constant 0 : i32
    %add3A_4 = arith.addi %add3A_3, %mul3A_2 : i32
    %dma_start3A = arith.constant 0 : i32
    %dma_start3A_5 = tpu.memref_slice %arg4[%dma_start3A] : memref<3072xf32, #tpu.memory_space<vmem>> -> memref<512xf32, #tpu.memory_space<vmem>>
    %dma_start3A_6 = tpu.memref_slice %arg2[%add3A_4] : memref<98304xf32, #tpu.memory_space<hbm>> -> memref<512xf32, #tpu.memory_space<hbm>>
    %dma_start3A_7 = arith.constant 0 : i32
    %dma_start3A_8 = tpu.memref_slice %arg4[%dma_start3A_7] : memref<3072xf32, #tpu.memory_space<vmem>> -> memref<512xf32, #tpu.memory_space<vmem>>
    %dma_start3A_9 = tpu.memref_slice %arg2[%add3A_4] : memref<98304xf32, #tpu.memory_space<hbm>> -> memref<512xf32, #tpu.memory_space<hbm>>
    tpu.enqueue_dma source(%dma_start3A_9 : memref<512xf32, #tpu.memory_space<hbm>>) target(%dma_start3A_8 : memref<512xf32, #tpu.memory_space<vmem>>) target_semaphore(%arg6 : memref<!tpu.dma_semaphore, #tpu.memory_space<semaphore_mem>>)
    %add3A_10 = arith.constant 16384 : i32
    %add3A_11 = arith.addi %add3A_10, %mul3A_2 : i32
    %dma_start3A_12 = arith.constant 512 : i32
    %dma_start3A_13 = tpu.memref_slice %arg4[%dma_start3A_12] : memref<3072xf32, #tpu.memory_space<vmem>> -> memref<512xf32, #tpu.memory_space<vmem>>
    %dma_start3A_14 = tpu.memref_slice %arg2[%add3A_11] : memref<98304xf32, #tpu.memory_space<hbm>> -> memref<512xf32, #tpu.memory_space<hbm>>
    %dma_start3A_15 = arith.constant 512 : i32
    %dma_start3A_16 = tpu.memref_slice %arg4[%dma_start3A_15] : memref<3072xf32, #tpu.memory_space<vmem>> -> memref<512xf32, #tpu.memory_space<vmem>>
    %dma_start3A_17 = tpu.memref_slice %arg2[%add3A_11] : memref<98304xf32, #tpu.memory_space<hbm>> -> memref<512xf32, #tpu.memory_space<hbm>>
    tpu.enqueue_dma source(%dma_start3A_17 : memref<512xf32, #tpu.memory_space<hbm>>) target(%dma_start3A_16 : memref<512xf32, #tpu.memory_space<vmem>>) target_semaphore(%arg6 : memref<!tpu.dma_semaphore, #tpu.memory_space<semaphore_mem>>)
    %add3A_18 = arith.constant 32768 : i32
    %add3A_19 = arith.addi %add3A_18, %mul3A_2 : i32
    %dma_start3A_20 = arith.constant 1024 : i32
    %dma_start3A_21 = tpu.memref_slice %arg4[%dma_start3A_20] : memref<3072xf32, #tpu.memory_space<vmem>> -> memref<512xf32, #tpu.memory_space<vmem>>
    %dma_start3A_22 = tpu.memref_slice %arg2[%add3A_19] : memref<98304xf32, #tpu.memory_space<hbm>> -> memref<512xf32, #tpu.memory_space<hbm>>
    %dma_start3A_23 = arith.constant 1024 : i32
    %dma_start3A_24 = tpu.memref_slice %arg4[%dma_start3A_23] : memref<3072xf32, #tpu.memory_space<vmem>> -> memref<512xf32, #tpu.memory_space<vmem>>
    %dma_start3A_25 = tpu.memref_slice %arg2[%add3A_19] : memref<98304xf32, #tpu.memory_space<hbm>> -> memref<512xf32, #tpu.memory_space<hbm>>
    tpu.enqueue_dma source(%dma_start3A_25 : memref<512xf32, #tpu.memory_space<hbm>>) target(%dma_start3A_24 : memref<512xf32, #tpu.memory_space<vmem>>) target_semaphore(%arg6 : memref<!tpu.dma_semaphore, #tpu.memory_space<semaphore_mem>>)
    %add3A_26 = arith.constant 49152 : i32
    %add3A_27 = arith.addi %add3A_26, %mul3A_2 : i32
    %dma_start3A_28 = arith.constant 1536 : i32
    %dma_start3A_29 = tpu.memref_slice %arg4[%dma_start3A_28] : memref<3072xf32, #tpu.memory_space<vmem>> -> memref<512xf32, #tpu.memory_space<vmem>>
    %dma_start3A_30 = tpu.memref_slice %arg2[%add3A_27] : memref<98304xf32, #tpu.memory_space<hbm>> -> memref<512xf32, #tpu.memory_space<hbm>>
    %dma_start3A_31 = arith.constant 1536 : i32
    %dma_start3A_32 = tpu.memref_slice %arg4[%dma_start3A_31] : memref<3072xf32, #tpu.memory_space<vmem>> -> memref<512xf32, #tpu.memory_space<vmem>>
    %dma_start3A_33 = tpu.memref_slice %arg2[%add3A_27] : memref<98304xf32, #tpu.memory_space<hbm>> -> memref<512xf32, #tpu.memory_space<hbm>>
    tpu.enqueue_dma source(%dma_start3A_33 : memref<512xf32, #tpu.memory_space<hbm>>) target(%dma_start3A_32 : memref<512xf32, #tpu.memory_space<vmem>>) target_semaphore(%arg6 : memref<!tpu.dma_semaphore, #tpu.memory_space<semaphore_mem>>)
    %add3A_34 = arith.constant 65536 : i32
    %add3A_35 = arith.addi %add3A_34, %mul3A_2 : i32
    %dma_start3A_36 = arith.constant 2048 : i32
    %dma_start3A_37 = tpu.memref_slice %arg4[%dma_start3A_36] : memref<3072xf32, #tpu.memory_space<vmem>> -> memref<512xf32, #tpu.memory_space<vmem>>
    %dma_start3A_38 = tpu.memref_slice %arg2[%add3A_35] : memref<98304xf32, #tpu.memory_space<hbm>> -> memref<512xf32, #tpu.memory_space<hbm>>
    %dma_start3A_39 = arith.constant 2048 : i32
    %dma_start3A_40 = tpu.memref_slice %arg4[%dma_start3A_39] : memref<3072xf32, #tpu.memory_space<vmem>> -> memref<512xf32, #tpu.memory_space<vmem>>
    %dma_start3A_41 = tpu.memref_slice %arg2[%add3A_35] : memref<98304xf32, #tpu.memory_space<hbm>> -> memref<512xf32, #tpu.memory_space<hbm>>
    tpu.enqueue_dma source(%dma_start3A_41 : memref<512xf32, #tpu.memory_space<hbm>>) target(%dma_start3A_40 : memref<512xf32, #tpu.memory_space<vmem>>) target_semaphore(%arg6 : memref<!tpu.dma_semaphore, #tpu.memory_space<semaphore_mem>>)
    %add3A_42 = arith.constant 81920 : i32
    %add3A_43 = arith.addi %add3A_42, %mul3A_2 : i32
    %dma_start3A_44 = arith.constant 2560 : i32
    %dma_start3A_45 = tpu.memref_slice %arg4[%dma_start3A_44] : memref<3072xf32, #tpu.memory_space<vmem>> -> memref<512xf32, #tpu.memory_space<vmem>>
    %dma_start3A_46 = tpu.memref_slice %arg2[%add3A_43] : memref<98304xf32, #tpu.memory_space<hbm>> -> memref<512xf32, #tpu.memory_space<hbm>>
    %dma_start3A_47 = arith.constant 2560 : i32
    %dma_start3A_48 = tpu.memref_slice %arg4[%dma_start3A_47] : memref<3072xf32, #tpu.memory_space<vmem>> -> memref<512xf32, #tpu.memory_space<vmem>>
    %dma_start3A_49 = tpu.memref_slice %arg2[%add3A_43] : memref<98304xf32, #tpu.memory_space<hbm>> -> memref<512xf32, #tpu.memory_space<hbm>>
    tpu.enqueue_dma source(%dma_start3A_49 : memref<512xf32, #tpu.memory_space<hbm>>) target(%dma_start3A_48 : memref<512xf32, #tpu.memory_space<vmem>>) target_semaphore(%arg6 : memref<!tpu.dma_semaphore, #tpu.memory_space<semaphore_mem>>)
    %dma_wait3A = arith.constant 0 : i32
    %dma_wait3A_50 = tpu.memref_slice %arg4[%dma_wait3A] : memref<3072xf32, #tpu.memory_space<vmem>> -> memref<512xf32, #tpu.memory_space<vmem>>
    %dma_wait3A_51 = tpu.memref_slice %arg2[%add3A_4] : memref<98304xf32, #tpu.memory_space<hbm>> -> memref<512xf32, #tpu.memory_space<hbm>>
    %dma_wait3A_52 = arith.constant 0 : i32
    %dma_wait3A_53 = tpu.memref_slice %arg4[%dma_wait3A_52] : memref<3072xf32, #tpu.memory_space<vmem>> -> memref<512xf32, #tpu.memory_space<vmem>>
    %dma_wait3A_54 = tpu.memref_slice %arg2[%add3A_4] : memref<98304xf32, #tpu.memory_space<hbm>> -> memref<512xf32, #tpu.memory_space<hbm>>
    tpu.wait_dma2 semaphore(%arg6 : memref<!tpu.dma_semaphore, #tpu.memory_space<semaphore_mem>>) src(%dma_wait3A_54 : memref<512xf32, #tpu.memory_space<hbm>>) dst(%dma_wait3A_53 : memref<512xf32, #tpu.memory_space<vmem>>)
    %dma_wait3A_55 = arith.constant 512 : i32
    %dma_wait3A_56 = tpu.memref_slice %arg4[%dma_wait3A_55] : memref<3072xf32, #tpu.memory_space<vmem>> -> memref<512xf32, #tpu.memory_space<vmem>>
    %dma_wait3A_57 = tpu.memref_slice %arg2[%add3A_11] : memref<98304xf32, #tpu.memory_space<hbm>> -> memref<512xf32, #tpu.memory_space<hbm>>
    %dma_wait3A_58 = arith.constant 512 : i32
    %dma_wait3A_59 = tpu.memref_slice %arg4[%dma_wait3A_58] : memref<3072xf32, #tpu.memory_space<vmem>> -> memref<512xf32, #tpu.memory_space<vmem>>
    %dma_wait3A_60 = tpu.memref_slice %arg2[%add3A_11] : memref<98304xf32, #tpu.memory_space<hbm>> -> memref<512xf32, #tpu.memory_space<hbm>>
    tpu.wait_dma2 semaphore(%arg6 : memref<!tpu.dma_semaphore, #tpu.memory_space<semaphore_mem>>) src(%dma_wait3A_60 : memref<512xf32, #tpu.memory_space<hbm>>) dst(%dma_wait3A_59 : memref<512xf32, #tpu.memory_space<vmem>>)
    %dma_wait3A_61 = arith.constant 1024 : i32
    %dma_wait3A_62 = tpu.memref_slice %arg4[%dma_wait3A_61] : memref<3072xf32, #tpu.memory_space<vmem>> -> memref<512xf32, #tpu.memory_space<vmem>>
    %dma_wait3A_63 = tpu.memref_slice %arg2[%add3A_19] : memref<98304xf32, #tpu.memory_space<hbm>> -> memref<512xf32, #tpu.memory_space<hbm>>
    %dma_wait3A_64 = arith.constant 1024 : i32
    %dma_wait3A_65 = tpu.memref_slice %arg4[%dma_wait3A_64] : memref<3072xf32, #tpu.memory_space<vmem>> -> memref<512xf32, #tpu.memory_space<vmem>>
    %dma_wait3A_66 = tpu.memref_slice %arg2[%add3A_19] : memref<98304xf32, #tpu.memory_space<hbm>> -> memref<512xf32, #tpu.memory_space<hbm>>
    tpu.wait_dma2 semaphore(%arg6 : memref<!tpu.dma_semaphore, #tpu.memory_space<semaphore_mem>>) src(%dma_wait3A_66 : memref<512xf32, #tpu.memory_space<hbm>>) dst(%dma_wait3A_65 : memref<512xf32, #tpu.memory_space<vmem>>)
    %dma_wait3A_67 = arith.constant 1536 : i32
    %dma_wait3A_68 = tpu.memref_slice %arg4[%dma_wait3A_67] : memref<3072xf32, #tpu.memory_space<vmem>> -> memref<512xf32, #tpu.memory_space<vmem>>
    %dma_wait3A_69 = tpu.memref_slice %arg2[%add3A_27] : memref<98304xf32, #tpu.memory_space<hbm>> -> memref<512xf32, #tpu.memory_space<hbm>>
    %dma_wait3A_70 = arith.constant 1536 : i32
    %dma_wait3A_71 = tpu.memref_slice %arg4[%dma_wait3A_70] : memref<3072xf32, #tpu.memory_space<vmem>> -> memref<512xf32, #tpu.memory_space<vmem>>
    %dma_wait3A_72 = tpu.memref_slice %arg2[%add3A_27] : memref<98304xf32, #tpu.memory_space<hbm>> -> memref<512xf32, #tpu.memory_space<hbm>>
    tpu.wait_dma2 semaphore(%arg6 : memref<!tpu.dma_semaphore, #tpu.memory_space<semaphore_mem>>) src(%dma_wait3A_72 : memref<512xf32, #tpu.memory_space<hbm>>) dst(%dma_wait3A_71 : memref<512xf32, #tpu.memory_space<vmem>>)
    %dma_wait3A_73 = arith.constant 2048 : i32
    %dma_wait3A_74 = tpu.memref_slice %arg4[%dma_wait3A_73] : memref<3072xf32, #tpu.memory_space<vmem>> -> memref<512xf32, #tpu.memory_space<vmem>>
    %dma_wait3A_75 = tpu.memref_slice %arg2[%add3A_35] : memref<98304xf32, #tpu.memory_space<hbm>> -> memref<512xf32, #tpu.memory_space<hbm>>
    %dma_wait3A_76 = arith.constant 2048 : i32
    %dma_wait3A_77 = tpu.memref_slice %arg4[%dma_wait3A_76] : memref<3072xf32, #tpu.memory_space<vmem>> -> memref<512xf32, #tpu.memory_space<vmem>>
    %dma_wait3A_78 = tpu.memref_slice %arg2[%add3A_35] : memref<98304xf32, #tpu.memory_space<hbm>> -> memref<512xf32, #tpu.memory_space<hbm>>
    tpu.wait_dma2 semaphore(%arg6 : memref<!tpu.dma_semaphore, #tpu.memory_space<semaphore_mem>>) src(%dma_wait3A_78 : memref<512xf32, #tpu.memory_space<hbm>>) dst(%dma_wait3A_77 : memref<512xf32, #tpu.memory_space<vmem>>)
    %dma_wait3A_79 = arith.constant 2560 : i32
    %dma_wait3A_80 = tpu.memref_slice %arg4[%dma_wait3A_79] : memref<3072xf32, #tpu.memory_space<vmem>> -> memref<512xf32, #tpu.memory_space<vmem>>
    %dma_wait3A_81 = tpu.memref_slice %arg2[%add3A_43] : memref<98304xf32, #tpu.memory_space<hbm>> -> memref<512xf32, #tpu.memory_space<hbm>>
    %dma_wait3A_82 = arith.constant 2560 : i32
    %dma_wait3A_83 = tpu.memref_slice %arg4[%dma_wait3A_82] : memref<3072xf32, #tpu.memory_space<vmem>> -> memref<512xf32, #tpu.memory_space<vmem>>
    %dma_wait3A_84 = tpu.memref_slice %arg2[%add3A_43] : memref<98304xf32, #tpu.memory_space<hbm>> -> memref<512xf32, #tpu.memory_space<hbm>>
    tpu.wait_dma2 semaphore(%arg6 : memref<!tpu.dma_semaphore, #tpu.memory_space<semaphore_mem>>) src(%dma_wait3A_84 : memref<512xf32, #tpu.memory_space<hbm>>) dst(%dma_wait3A_83 : memref<512xf32, #tpu.memory_space<vmem>>)
    %add3A_85 = arith.constant 163840 : i32
    %add3A_86 = arith.addi %add3A_85, %mul3A_2 : i32
    %dma_start3A_87 = arith.constant 2048 : i32
    %dma_start3A_88 = tpu.memref_slice %arg4[%dma_start3A_87] : memref<3072xf32, #tpu.memory_space<vmem>> -> memref<512xf32, #tpu.memory_space<vmem>>
    %dma_start3A_89 = tpu.memref_slice %arg3[%add3A_86] : memref<180224xf32, #tpu.memory_space<hbm>> -> memref<512xf32, #tpu.memory_space<hbm>>
    %dma_start3A_90 = tpu.memref_slice %arg3[%add3A_86] : memref<180224xf32, #tpu.memory_space<hbm>> -> memref<512xf32, #tpu.memory_space<hbm>>
    %dma_start3A_91 = arith.constant 2048 : i32
    %dma_start3A_92 = tpu.memref_slice %arg4[%dma_start3A_91] : memref<3072xf32, #tpu.memory_space<vmem>> -> memref<512xf32, #tpu.memory_space<vmem>>
    tpu.enqueue_dma source(%dma_start3A_92 : memref<512xf32, #tpu.memory_space<vmem>>) target(%dma_start3A_90 : memref<512xf32, #tpu.memory_space<hbm>>) target_semaphore(%arg6 : memref<!tpu.dma_semaphore, #tpu.memory_space<semaphore_mem>>)
    %broadcast_in_dim3A = arith.constant 0.000000e+00 : f32
    %broadcast_in_dim3A_93 = vector.broadcast %broadcast_in_dim3A : f32 to vector<16xf32>
    %parallel_loop3A = arith.constant 0 : i32
    %parallel_loop3A_94 = arith.constant 512 : i32
    %parallel_loop3A_95 = arith.constant 16 : i32
    %parallel_loop3A_96 = arith.constant 7.812500e-03 : f32
    scf.for %parallel_loop3A_243 = %parallel_loop3A to %parallel_loop3A_94 step %parallel_loop3A_95  : i32 {
      %parallel_loop3A_244 = arith.constant 0 : i32
      %parallel_loop3A_245 = arith.addi %parallel_loop3A_244, %parallel_loop3A_243 : i32
      %parallel_loop3A_246 = arith.index_cast %parallel_loop3A_245 : i32 to index
      %parallel_loop3A_247 = tpu.vector_load %arg4[%parallel_loop3A_246] {strides = array<i32>} : memref<3072xf32, #tpu.memory_space<vmem>>, vector<16xf32>,
      %parallel_loop3A_248 = arith.constant 512 : i32
      %parallel_loop3A_249 = arith.addi %parallel_loop3A_248, %parallel_loop3A_243 : i32
      %parallel_loop3A_250 = arith.index_cast %parallel_loop3A_249 : i32 to index
      %parallel_loop3A_251 = tpu.vector_load %arg4[%parallel_loop3A_250] {strides = array<i32>} : memref<3072xf32, #tpu.memory_space<vmem>>, vector<16xf32>,
      %parallel_loop3A_252 = arith.constant 1024 : i32
      %parallel_loop3A_253 = arith.addi %parallel_loop3A_252, %parallel_loop3A_243 : i32
      %parallel_loop3A_254 = arith.index_cast %parallel_loop3A_253 : i32 to index
      %parallel_loop3A_255 = tpu.vector_load %arg4[%parallel_loop3A_254] {strides = array<i32>} : memref<3072xf32, #tpu.memory_space<vmem>>, vector<16xf32>,
      %parallel_loop3A_256 = arith.constant 1536 : i32
      %parallel_loop3A_257 = arith.addi %parallel_loop3A_256, %parallel_loop3A_243 : i32
      %parallel_loop3A_258 = arith.index_cast %parallel_loop3A_257 : i32 to index
      %parallel_loop3A_259 = tpu.vector_load %arg4[%parallel_loop3A_258] {strides = array<i32>} : memref<3072xf32, #tpu.memory_space<vmem>>, vector<16xf32>,
      %parallel_loop3A_260 = arith.constant 2048 : i32
      %parallel_loop3A_261 = arith.addi %parallel_loop3A_260, %parallel_loop3A_243 : i32
      %parallel_loop3A_262 = arith.index_cast %parallel_loop3A_261 : i32 to index
      %parallel_loop3A_263 = tpu.vector_load %arg4[%parallel_loop3A_262] {strides = array<i32>} : memref<3072xf32, #tpu.memory_space<vmem>>, vector<16xf32>,
      %parallel_loop3A_264 = arith.constant 2560 : i32
      %parallel_loop3A_265 = arith.addi %parallel_loop3A_264, %parallel_loop3A_243 : i32
      %parallel_loop3A_266 = arith.index_cast %parallel_loop3A_265 : i32 to index
      %parallel_loop3A_267 = tpu.vector_load %arg4[%parallel_loop3A_266] {strides = array<i32>} : memref<3072xf32, #tpu.memory_space<vmem>>, vector<16xf32>,
      %parallel_loop3A_268 = arith.fptosi %parallel_loop3A_267 : vector<16xf32> to vector<16xi32>
      %parallel_loop3A_269 = arith.constant 0 : i32
      %parallel_loop3A_270 = vector.broadcast %parallel_loop3A_269 : i32 to vector<16xi32>
      %parallel_loop3A_271 = arith.maxsi %parallel_loop3A_268, %parallel_loop3A_270 : vector<16xi32>
      %parallel_loop3A_272 = arith.constant 8 : i32
      %parallel_loop3A_273 = vector.broadcast %parallel_loop3A_272 : i32 to vector<16xi32>
      %parallel_loop3A_274 = arith.minsi %parallel_loop3A_271, %parallel_loop3A_273 : vector<16xi32>
      %parallel_loop3A_275 = arith.constant 3 : i32
      %parallel_loop3A_276 = vector.broadcast %parallel_loop3A_275 : i32 to vector<16xi32>
      %parallel_loop3A_277 = arith.cmpi sge, %parallel_loop3A_274, %parallel_loop3A_276 : vector<16xi32>
      %parallel_loop3A_278 = arith.extui %parallel_loop3A_277 : vector<16xi1> to vector<16xi32>
      %parallel_loop3A_279 = arith.constant 6 : i32
      %parallel_loop3A_280 = vector.broadcast %parallel_loop3A_279 : i32 to vector<16xi32>
      %parallel_loop3A_281 = arith.cmpi sge, %parallel_loop3A_274, %parallel_loop3A_280 : vector<16xi32>
      %parallel_loop3A_282 = arith.extui %parallel_loop3A_281 : vector<16xi1> to vector<16xi32>
      %parallel_loop3A_283 = arith.addi %parallel_loop3A_278, %parallel_loop3A_282 : vector<16xi32>
      %parallel_loop3A_284 = arith.constant 3 : i32
      %parallel_loop3A_285 = vector.broadcast %parallel_loop3A_284 : i32 to vector<16xi32>
      %parallel_loop3A_286 = arith.muli %parallel_loop3A_285, %parallel_loop3A_283 : vector<16xi32>
      %parallel_loop3A_287 = arith.subi %parallel_loop3A_274, %parallel_loop3A_286 : vector<16xi32>
      %parallel_loop3A_288 = vector.broadcast %parallel_loop3A_96 : f32 to vector<16xf32>
      %parallel_loop3A_289 = arith.mulf %parallel_loop3A_247, %parallel_loop3A_288 : vector<16xf32>
      %parallel_loop3A_290 = vector.broadcast %parallel_loop3A_96 : f32 to vector<16xf32>
      %parallel_loop3A_291 = arith.mulf %parallel_loop3A_251, %parallel_loop3A_290 : vector<16xf32>
      %parallel_loop3A_292 = vector.broadcast %parallel_loop3A_96 : f32 to vector<16xf32>
      %parallel_loop3A_293 = arith.mulf %parallel_loop3A_255, %parallel_loop3A_292 : vector<16xf32>
      %parallel_loop3A_294 = vector.broadcast %parallel_loop3A_96 : f32 to vector<16xf32>
      %parallel_loop3A_295 = arith.mulf %parallel_loop3A_259, %parallel_loop3A_294 : vector<16xf32>
      %parallel_loop3A_296 = arith.constant 0 : i32
      %parallel_loop3A_297 = vector.broadcast %parallel_loop3A_296 : i32 to vector<16xi32>
      %parallel_loop3A_298 = arith.cmpi eq, %parallel_loop3A_283, %parallel_loop3A_297 : vector<16xi32>
      %parallel_loop3A_299 = arith.select %parallel_loop3A_298, %parallel_loop3A_263, %broadcast_in_dim3A_93 : vector<16xi1>, vector<16xf32>
      %parallel_loop3A_300 = arith.constant 1 : i32
      %parallel_loop3A_301 = vector.broadcast %parallel_loop3A_300 : i32 to vector<16xi32>
      %parallel_loop3A_302 = arith.cmpi eq, %parallel_loop3A_283, %parallel_loop3A_301 : vector<16xi32>
      %parallel_loop3A_303 = arith.select %parallel_loop3A_302, %parallel_loop3A_263, %broadcast_in_dim3A_93 : vector<16xi1>, vector<16xf32>
      %parallel_loop3A_304 = arith.constant 2 : i32
      %parallel_loop3A_305 = vector.broadcast %parallel_loop3A_304 : i32 to vector<16xi32>
      %parallel_loop3A_306 = arith.cmpi eq, %parallel_loop3A_283, %parallel_loop3A_305 : vector<16xi32>
      %parallel_loop3A_307 = arith.select %parallel_loop3A_306, %parallel_loop3A_263, %broadcast_in_dim3A_93 : vector<16xi1>, vector<16xf32>
      %parallel_loop3A_308 = arith.constant 0 : i32
      %parallel_loop3A_309 = vector.broadcast %parallel_loop3A_308 : i32 to vector<16xi32>
      %parallel_loop3A_310 = arith.cmpi eq, %parallel_loop3A_287, %parallel_loop3A_309 : vector<16xi32>
      %parallel_loop3A_311 = arith.select %parallel_loop3A_310, %parallel_loop3A_263, %broadcast_in_dim3A_93 : vector<16xi1>, vector<16xf32>
      %parallel_loop3A_312 = arith.constant 1 : i32
      %parallel_loop3A_313 = vector.broadcast %parallel_loop3A_312 : i32 to vector<16xi32>
      %parallel_loop3A_314 = arith.cmpi eq, %parallel_loop3A_287, %parallel_loop3A_313 : vector<16xi32>
      %parallel_loop3A_315 = arith.select %parallel_loop3A_314, %parallel_loop3A_263, %broadcast_in_dim3A_93 : vector<16xi1>, vector<16xf32>
      %parallel_loop3A_316 = arith.constant 2 : i32
      %parallel_loop3A_317 = vector.broadcast %parallel_loop3A_316 : i32 to vector<16xi32>
      %parallel_loop3A_318 = arith.cmpi eq, %parallel_loop3A_287, %parallel_loop3A_317 : vector<16xi32>
      %parallel_loop3A_319 = arith.select %parallel_loop3A_318, %parallel_loop3A_263, %broadcast_in_dim3A_93 : vector<16xi1>, vector<16xf32>
      %parallel_loop3A_320 = arith.constant 0 : i32
      %parallel_loop3A_321 = arith.addi %parallel_loop3A_320, %parallel_loop3A_243 : i32
      %parallel_loop3A_322 = arith.index_cast %parallel_loop3A_321 : i32 to index
      %parallel_loop3A_323 = tpu.vector_load %arg5[%parallel_loop3A_322] {strides = array<i32>} : memref<5632xf32, #tpu.memory_space<vmem>>, vector<16xf32>,
      tpu.vector_store %arg5[%parallel_loop3A_322], %parallel_loop3A_289 {strides = array<i32>} : memref<5632xf32, #tpu.memory_space<vmem>>, vector<16xf32>,
      %parallel_loop3A_324 = arith.constant 512 : i32
      %parallel_loop3A_325 = arith.addi %parallel_loop3A_324, %parallel_loop3A_243 : i32
      %parallel_loop3A_326 = arith.index_cast %parallel_loop3A_325 : i32 to index
      %parallel_loop3A_327 = tpu.vector_load %arg5[%parallel_loop3A_326] {strides = array<i32>} : memref<5632xf32, #tpu.memory_space<vmem>>, vector<16xf32>,
      tpu.vector_store %arg5[%parallel_loop3A_326], %parallel_loop3A_291 {strides = array<i32>} : memref<5632xf32, #tpu.memory_space<vmem>>, vector<16xf32>,
      %parallel_loop3A_328 = arith.constant 1024 : i32
      %parallel_loop3A_329 = arith.addi %parallel_loop3A_328, %parallel_loop3A_243 : i32
      %parallel_loop3A_330 = arith.index_cast %parallel_loop3A_329 : i32 to index
      %parallel_loop3A_331 = tpu.vector_load %arg5[%parallel_loop3A_330] {strides = array<i32>} : memref<5632xf32, #tpu.memory_space<vmem>>, vector<16xf32>,
      tpu.vector_store %arg5[%parallel_loop3A_330], %parallel_loop3A_293 {strides = array<i32>} : memref<5632xf32, #tpu.memory_space<vmem>>, vector<16xf32>,
      %parallel_loop3A_332 = arith.constant 1536 : i32
      %parallel_loop3A_333 = arith.addi %parallel_loop3A_332, %parallel_loop3A_243 : i32
      %parallel_loop3A_334 = arith.index_cast %parallel_loop3A_333 : i32 to index
      %parallel_loop3A_335 = tpu.vector_load %arg5[%parallel_loop3A_334] {strides = array<i32>} : memref<5632xf32, #tpu.memory_space<vmem>>, vector<16xf32>,
      tpu.vector_store %arg5[%parallel_loop3A_334], %parallel_loop3A_295 {strides = array<i32>} : memref<5632xf32, #tpu.memory_space<vmem>>, vector<16xf32>,
      %parallel_loop3A_336 = arith.constant 2048 : i32
      %parallel_loop3A_337 = arith.addi %parallel_loop3A_336, %parallel_loop3A_243 : i32
      %parallel_loop3A_338 = arith.index_cast %parallel_loop3A_337 : i32 to index
      %parallel_loop3A_339 = tpu.vector_load %arg5[%parallel_loop3A_338] {strides = array<i32>} : memref<5632xf32, #tpu.memory_space<vmem>>, vector<16xf32>,
      tpu.vector_store %arg5[%parallel_loop3A_338], %parallel_loop3A_299 {strides = array<i32>} : memref<5632xf32, #tpu.memory_space<vmem>>, vector<16xf32>,
      %parallel_loop3A_340 = arith.constant 2560 : i32
      %parallel_loop3A_341 = arith.addi %parallel_loop3A_340, %parallel_loop3A_243 : i32
      %parallel_loop3A_342 = arith.index_cast %parallel_loop3A_341 : i32 to index
      %parallel_loop3A_343 = tpu.vector_load %arg5[%parallel_loop3A_342] {strides = array<i32>} : memref<5632xf32, #tpu.memory_space<vmem>>, vector<16xf32>,
      tpu.vector_store %arg5[%parallel_loop3A_342], %parallel_loop3A_303 {strides = array<i32>} : memref<5632xf32, #tpu.memory_space<vmem>>, vector<16xf32>,
      %parallel_loop3A_344 = arith.constant 3072 : i32
      %parallel_loop3A_345 = arith.addi %parallel_loop3A_344, %parallel_loop3A_243 : i32
      %parallel_loop3A_346 = arith.index_cast %parallel_loop3A_345 : i32 to index
      %parallel_loop3A_347 = tpu.vector_load %arg5[%parallel_loop3A_346] {strides = array<i32>} : memref<5632xf32, #tpu.memory_space<vmem>>, vector<16xf32>,
      tpu.vector_store %arg5[%parallel_loop3A_346], %parallel_loop3A_307 {strides = array<i32>} : memref<5632xf32, #tpu.memory_space<vmem>>, vector<16xf32>,
      %parallel_loop3A_348 = arith.constant 3584 : i32
      %parallel_loop3A_349 = arith.addi %parallel_loop3A_348, %parallel_loop3A_243 : i32
      %parallel_loop3A_350 = arith.index_cast %parallel_loop3A_349 : i32 to index
      %parallel_loop3A_351 = tpu.vector_load %arg5[%parallel_loop3A_350] {strides = array<i32>} : memref<5632xf32, #tpu.memory_space<vmem>>, vector<16xf32>,
      tpu.vector_store %arg5[%parallel_loop3A_350], %parallel_loop3A_311 {strides = array<i32>} : memref<5632xf32, #tpu.memory_space<vmem>>, vector<16xf32>,
      %parallel_loop3A_352 = arith.constant 4096 : i32
      %parallel_loop3A_353 = arith.addi %parallel_loop3A_352, %parallel_loop3A_243 : i32
      %parallel_loop3A_354 = arith.index_cast %parallel_loop3A_353 : i32 to index
      %parallel_loop3A_355 = tpu.vector_load %arg5[%parallel_loop3A_354] {strides = array<i32>} : memref<5632xf32, #tpu.memory_space<vmem>>, vector<16xf32>,
      tpu.vector_store %arg5[%parallel_loop3A_354], %parallel_loop3A_315 {strides = array<i32>} : memref<5632xf32, #tpu.memory_space<vmem>>, vector<16xf32>,
      %parallel_loop3A_356 = arith.constant 4608 : i32
      %parallel_loop3A_357 = arith.addi %parallel_loop3A_356, %parallel_loop3A_243 : i32
      %parallel_loop3A_358 = arith.index_cast %parallel_loop3A_357 : i32 to index
      %parallel_loop3A_359 = tpu.vector_load %arg5[%parallel_loop3A_358] {strides = array<i32>} : memref<5632xf32, #tpu.memory_space<vmem>>, vector<16xf32>,
      tpu.vector_store %arg5[%parallel_loop3A_358], %parallel_loop3A_319 {strides = array<i32>} : memref<5632xf32, #tpu.memory_space<vmem>>, vector<16xf32>,
    } {sc.loop_unroll_factor = 1 : i64, sc.parallel_access}
    %add3A_97 = arith.constant 0 : i32
    %add3A_98 = arith.addi %add3A_97, %mul3A_2 : i32
    %dma_start3A_99 = arith.constant 0 : i32
    %dma_start3A_100 = tpu.memref_slice %arg5[%dma_start3A_99] : memref<5632xf32, #tpu.memory_space<vmem>> -> memref<512xf32, #tpu.memory_space<vmem>>
    %dma_start3A_101 = tpu.memref_slice %arg3[%add3A_98] : memref<180224xf32, #tpu.memory_space<hbm>> -> memref<512xf32, #tpu.memory_space<hbm>>
    %dma_start3A_102 = tpu.memref_slice %arg3[%add3A_98] : memref<180224xf32, #tpu.memory_space<hbm>> -> memref<512xf32, #tpu.memory_space<hbm>>
    %dma_start3A_103 = arith.constant 0 : i32
    %dma_start3A_104 = tpu.memref_slice %arg5[%dma_start3A_103] : memref<5632xf32, #tpu.memory_space<vmem>> -> memref<512xf32, #tpu.memory_space<vmem>>
    tpu.enqueue_dma source(%dma_start3A_104 : memref<512xf32, #tpu.memory_space<vmem>>) target(%dma_start3A_102 : memref<512xf32, #tpu.memory_space<hbm>>) target_semaphore(%arg6 : memref<!tpu.dma_semaphore, #tpu.memory_space<semaphore_mem>>)
    %add3A_105 = arith.constant 16384 : i32
    %add3A_106 = arith.addi %add3A_105, %mul3A_2 : i32
    %dma_start3A_107 = arith.constant 512 : i32
    %dma_start3A_108 = tpu.memref_slice %arg5[%dma_start3A_107] : memref<5632xf32, #tpu.memory_space<vmem>> -> memref<512xf32, #tpu.memory_space<vmem>>
    %dma_start3A_109 = tpu.memref_slice %arg3[%add3A_106] : memref<180224xf32, #tpu.memory_space<hbm>> -> memref<512xf32, #tpu.memory_space<hbm>>
    %dma_start3A_110 = tpu.memref_slice %arg3[%add3A_106] : memref<180224xf32, #tpu.memory_space<hbm>> -> memref<512xf32, #tpu.memory_space<hbm>>
    %dma_start3A_111 = arith.constant 512 : i32
    %dma_start3A_112 = tpu.memref_slice %arg5[%dma_start3A_111] : memref<5632xf32, #tpu.memory_space<vmem>> -> memref<512xf32, #tpu.memory_space<vmem>>
    tpu.enqueue_dma source(%dma_start3A_112 : memref<512xf32, #tpu.memory_space<vmem>>) target(%dma_start3A_110 : memref<512xf32, #tpu.memory_space<hbm>>) target_semaphore(%arg6 : memref<!tpu.dma_semaphore, #tpu.memory_space<semaphore_mem>>)
    %add3A_113 = arith.constant 32768 : i32
    %add3A_114 = arith.addi %add3A_113, %mul3A_2 : i32
    %dma_start3A_115 = arith.constant 1024 : i32
    %dma_start3A_116 = tpu.memref_slice %arg5[%dma_start3A_115] : memref<5632xf32, #tpu.memory_space<vmem>> -> memref<512xf32, #tpu.memory_space<vmem>>
    %dma_start3A_117 = tpu.memref_slice %arg3[%add3A_114] : memref<180224xf32, #tpu.memory_space<hbm>> -> memref<512xf32, #tpu.memory_space<hbm>>
    %dma_start3A_118 = tpu.memref_slice %arg3[%add3A_114] : memref<180224xf32, #tpu.memory_space<hbm>> -> memref<512xf32, #tpu.memory_space<hbm>>
    %dma_start3A_119 = arith.constant 1024 : i32
    %dma_start3A_120 = tpu.memref_slice %arg5[%dma_start3A_119] : memref<5632xf32, #tpu.memory_space<vmem>> -> memref<512xf32, #tpu.memory_space<vmem>>
    tpu.enqueue_dma source(%dma_start3A_120 : memref<512xf32, #tpu.memory_space<vmem>>) target(%dma_start3A_118 : memref<512xf32, #tpu.memory_space<hbm>>) target_semaphore(%arg6 : memref<!tpu.dma_semaphore, #tpu.memory_space<semaphore_mem>>)
    %add3A_121 = arith.constant 49152 : i32
    %add3A_122 = arith.addi %add3A_121, %mul3A_2 : i32
    %dma_start3A_123 = arith.constant 1536 : i32
    %dma_start3A_124 = tpu.memref_slice %arg5[%dma_start3A_123] : memref<5632xf32, #tpu.memory_space<vmem>> -> memref<512xf32, #tpu.memory_space<vmem>>
    %dma_start3A_125 = tpu.memref_slice %arg3[%add3A_122] : memref<180224xf32, #tpu.memory_space<hbm>> -> memref<512xf32, #tpu.memory_space<hbm>>
    %dma_start3A_126 = tpu.memref_slice %arg3[%add3A_122] : memref<180224xf32, #tpu.memory_space<hbm>> -> memref<512xf32, #tpu.memory_space<hbm>>
    %dma_start3A_127 = arith.constant 1536 : i32
    %dma_start3A_128 = tpu.memref_slice %arg5[%dma_start3A_127] : memref<5632xf32, #tpu.memory_space<vmem>> -> memref<512xf32, #tpu.memory_space<vmem>>
    tpu.enqueue_dma source(%dma_start3A_128 : memref<512xf32, #tpu.memory_space<vmem>>) target(%dma_start3A_126 : memref<512xf32, #tpu.memory_space<hbm>>) target_semaphore(%arg6 : memref<!tpu.dma_semaphore, #tpu.memory_space<semaphore_mem>>)
    %add3A_129 = arith.constant 65536 : i32
    %add3A_130 = arith.addi %add3A_129, %mul3A_2 : i32
    %dma_start3A_131 = arith.constant 2048 : i32
    %dma_start3A_132 = tpu.memref_slice %arg5[%dma_start3A_131] : memref<5632xf32, #tpu.memory_space<vmem>> -> memref<512xf32, #tpu.memory_space<vmem>>
    %dma_start3A_133 = tpu.memref_slice %arg3[%add3A_130] : memref<180224xf32, #tpu.memory_space<hbm>> -> memref<512xf32, #tpu.memory_space<hbm>>
    %dma_start3A_134 = tpu.memref_slice %arg3[%add3A_130] : memref<180224xf32, #tpu.memory_space<hbm>> -> memref<512xf32, #tpu.memory_space<hbm>>
    %dma_start3A_135 = arith.constant 2048 : i32
    %dma_start3A_136 = tpu.memref_slice %arg5[%dma_start3A_135] : memref<5632xf32, #tpu.memory_space<vmem>> -> memref<512xf32, #tpu.memory_space<vmem>>
    tpu.enqueue_dma source(%dma_start3A_136 : memref<512xf32, #tpu.memory_space<vmem>>) target(%dma_start3A_134 : memref<512xf32, #tpu.memory_space<hbm>>) target_semaphore(%arg6 : memref<!tpu.dma_semaphore, #tpu.memory_space<semaphore_mem>>)
    %add3A_137 = arith.constant 81920 : i32
    %add3A_138 = arith.addi %add3A_137, %mul3A_2 : i32
    %dma_start3A_139 = arith.constant 2560 : i32
    %dma_start3A_140 = tpu.memref_slice %arg5[%dma_start3A_139] : memref<5632xf32, #tpu.memory_space<vmem>> -> memref<512xf32, #tpu.memory_space<vmem>>
    %dma_start3A_141 = tpu.memref_slice %arg3[%add3A_138] : memref<180224xf32, #tpu.memory_space<hbm>> -> memref<512xf32, #tpu.memory_space<hbm>>
    %dma_start3A_142 = tpu.memref_slice %arg3[%add3A_138] : memref<180224xf32, #tpu.memory_space<hbm>> -> memref<512xf32, #tpu.memory_space<hbm>>
    %dma_start3A_143 = arith.constant 2560 : i32
    %dma_start3A_144 = tpu.memref_slice %arg5[%dma_start3A_143] : memref<5632xf32, #tpu.memory_space<vmem>> -> memref<512xf32, #tpu.memory_space<vmem>>
    tpu.enqueue_dma source(%dma_start3A_144 : memref<512xf32, #tpu.memory_space<vmem>>) target(%dma_start3A_142 : memref<512xf32, #tpu.memory_space<hbm>>) target_semaphore(%arg6 : memref<!tpu.dma_semaphore, #tpu.memory_space<semaphore_mem>>)
    %add3A_145 = arith.constant 98304 : i32
    %add3A_146 = arith.addi %add3A_145, %mul3A_2 : i32
    %dma_start3A_147 = arith.constant 3072 : i32
    %dma_start3A_148 = tpu.memref_slice %arg5[%dma_start3A_147] : memref<5632xf32, #tpu.memory_space<vmem>> -> memref<512xf32, #tpu.memory_space<vmem>>
    %dma_start3A_149 = tpu.memref_slice %arg3[%add3A_146] : memref<180224xf32, #tpu.memory_space<hbm>> -> memref<512xf32, #tpu.memory_space<hbm>>
    %dma_start3A_150 = tpu.memref_slice %arg3[%add3A_146] : memref<180224xf32, #tpu.memory_space<hbm>> -> memref<512xf32, #tpu.memory_space<hbm>>
    %dma_start3A_151 = arith.constant 3072 : i32
    %dma_start3A_152 = tpu.memref_slice %arg5[%dma_start3A_151] : memref<5632xf32, #tpu.memory_space<vmem>> -> memref<512xf32, #tpu.memory_space<vmem>>
    tpu.enqueue_dma source(%dma_start3A_152 : memref<512xf32, #tpu.memory_space<vmem>>) target(%dma_start3A_150 : memref<512xf32, #tpu.memory_space<hbm>>) target_semaphore(%arg6 : memref<!tpu.dma_semaphore, #tpu.memory_space<semaphore_mem>>)
    %add3A_153 = arith.constant 114688 : i32
    %add3A_154 = arith.addi %add3A_153, %mul3A_2 : i32
    %dma_start3A_155 = arith.constant 3584 : i32
    %dma_start3A_156 = tpu.memref_slice %arg5[%dma_start3A_155] : memref<5632xf32, #tpu.memory_space<vmem>> -> memref<512xf32, #tpu.memory_space<vmem>>
    %dma_start3A_157 = tpu.memref_slice %arg3[%add3A_154] : memref<180224xf32, #tpu.memory_space<hbm>> -> memref<512xf32, #tpu.memory_space<hbm>>
    %dma_start3A_158 = tpu.memref_slice %arg3[%add3A_154] : memref<180224xf32, #tpu.memory_space<hbm>> -> memref<512xf32, #tpu.memory_space<hbm>>
    %dma_start3A_159 = arith.constant 3584 : i32
    %dma_start3A_160 = tpu.memref_slice %arg5[%dma_start3A_159] : memref<5632xf32, #tpu.memory_space<vmem>> -> memref<512xf32, #tpu.memory_space<vmem>>
    tpu.enqueue_dma source(%dma_start3A_160 : memref<512xf32, #tpu.memory_space<vmem>>) target(%dma_start3A_158 : memref<512xf32, #tpu.memory_space<hbm>>) target_semaphore(%arg6 : memref<!tpu.dma_semaphore, #tpu.memory_space<semaphore_mem>>)
    %add3A_161 = arith.constant 131072 : i32
    %add3A_162 = arith.addi %add3A_161, %mul3A_2 : i32
    %dma_start3A_163 = arith.constant 4096 : i32
    %dma_start3A_164 = tpu.memref_slice %arg5[%dma_start3A_163] : memref<5632xf32, #tpu.memory_space<vmem>> -> memref<512xf32, #tpu.memory_space<vmem>>
    %dma_start3A_165 = tpu.memref_slice %arg3[%add3A_162] : memref<180224xf32, #tpu.memory_space<hbm>> -> memref<512xf32, #tpu.memory_space<hbm>>
    %dma_start3A_166 = tpu.memref_slice %arg3[%add3A_162] : memref<180224xf32, #tpu.memory_space<hbm>> -> memref<512xf32, #tpu.memory_space<hbm>>
    %dma_start3A_167 = arith.constant 4096 : i32
    %dma_start3A_168 = tpu.memref_slice %arg5[%dma_start3A_167] : memref<5632xf32, #tpu.memory_space<vmem>> -> memref<512xf32, #tpu.memory_space<vmem>>
    tpu.enqueue_dma source(%dma_start3A_168 : memref<512xf32, #tpu.memory_space<vmem>>) target(%dma_start3A_166 : memref<512xf32, #tpu.memory_space<hbm>>) target_semaphore(%arg6 : memref<!tpu.dma_semaphore, #tpu.memory_space<semaphore_mem>>)
    %add3A_169 = arith.constant 147456 : i32
    %add3A_170 = arith.addi %add3A_169, %mul3A_2 : i32
    %dma_start3A_171 = arith.constant 4608 : i32
    %dma_start3A_172 = tpu.memref_slice %arg5[%dma_start3A_171] : memref<5632xf32, #tpu.memory_space<vmem>> -> memref<512xf32, #tpu.memory_space<vmem>>
    %dma_start3A_173 = tpu.memref_slice %arg3[%add3A_170] : memref<180224xf32, #tpu.memory_space<hbm>> -> memref<512xf32, #tpu.memory_space<hbm>>
    %dma_start3A_174 = tpu.memref_slice %arg3[%add3A_170] : memref<180224xf32, #tpu.memory_space<hbm>> -> memref<512xf32, #tpu.memory_space<hbm>>
    %dma_start3A_175 = arith.constant 4608 : i32
    %dma_start3A_176 = tpu.memref_slice %arg5[%dma_start3A_175] : memref<5632xf32, #tpu.memory_space<vmem>> -> memref<512xf32, #tpu.memory_space<vmem>>
    tpu.enqueue_dma source(%dma_start3A_176 : memref<512xf32, #tpu.memory_space<vmem>>) target(%dma_start3A_174 : memref<512xf32, #tpu.memory_space<hbm>>) target_semaphore(%arg6 : memref<!tpu.dma_semaphore, #tpu.memory_space<semaphore_mem>>)
    %dma_wait3A_177 = arith.constant 0 : i32
    %dma_wait3A_178 = tpu.memref_slice %arg5[%dma_wait3A_177] : memref<5632xf32, #tpu.memory_space<vmem>> -> memref<512xf32, #tpu.memory_space<vmem>>
    %dma_wait3A_179 = tpu.memref_slice %arg3[%add3A_98] : memref<180224xf32, #tpu.memory_space<hbm>> -> memref<512xf32, #tpu.memory_space<hbm>>
    %dma_wait3A_180 = tpu.memref_slice %arg3[%add3A_98] : memref<180224xf32, #tpu.memory_space<hbm>> -> memref<512xf32, #tpu.memory_space<hbm>>
    %dma_wait3A_181 = arith.constant 0 : i32
    %dma_wait3A_182 = tpu.memref_slice %arg5[%dma_wait3A_181] : memref<5632xf32, #tpu.memory_space<vmem>> -> memref<512xf32, #tpu.memory_space<vmem>>
    tpu.wait_dma2 semaphore(%arg6 : memref<!tpu.dma_semaphore, #tpu.memory_space<semaphore_mem>>) src(%dma_wait3A_182 : memref<512xf32, #tpu.memory_space<vmem>>) dst(%dma_wait3A_180 : memref<512xf32, #tpu.memory_space<hbm>>)
    %dma_wait3A_183 = arith.constant 512 : i32
    %dma_wait3A_184 = tpu.memref_slice %arg5[%dma_wait3A_183] : memref<5632xf32, #tpu.memory_space<vmem>> -> memref<512xf32, #tpu.memory_space<vmem>>
    %dma_wait3A_185 = tpu.memref_slice %arg3[%add3A_106] : memref<180224xf32, #tpu.memory_space<hbm>> -> memref<512xf32, #tpu.memory_space<hbm>>
    %dma_wait3A_186 = tpu.memref_slice %arg3[%add3A_106] : memref<180224xf32, #tpu.memory_space<hbm>> -> memref<512xf32, #tpu.memory_space<hbm>>
    %dma_wait3A_187 = arith.constant 512 : i32
    %dma_wait3A_188 = tpu.memref_slice %arg5[%dma_wait3A_187] : memref<5632xf32, #tpu.memory_space<vmem>> -> memref<512xf32, #tpu.memory_space<vmem>>
    tpu.wait_dma2 semaphore(%arg6 : memref<!tpu.dma_semaphore, #tpu.memory_space<semaphore_mem>>) src(%dma_wait3A_188 : memref<512xf32, #tpu.memory_space<vmem>>) dst(%dma_wait3A_186 : memref<512xf32, #tpu.memory_space<hbm>>)
    %dma_wait3A_189 = arith.constant 1024 : i32
    %dma_wait3A_190 = tpu.memref_slice %arg5[%dma_wait3A_189] : memref<5632xf32, #tpu.memory_space<vmem>> -> memref<512xf32, #tpu.memory_space<vmem>>
    %dma_wait3A_191 = tpu.memref_slice %arg3[%add3A_114] : memref<180224xf32, #tpu.memory_space<hbm>> -> memref<512xf32, #tpu.memory_space<hbm>>
    %dma_wait3A_192 = tpu.memref_slice %arg3[%add3A_114] : memref<180224xf32, #tpu.memory_space<hbm>> -> memref<512xf32, #tpu.memory_space<hbm>>
    %dma_wait3A_193 = arith.constant 1024 : i32
    %dma_wait3A_194 = tpu.memref_slice %arg5[%dma_wait3A_193] : memref<5632xf32, #tpu.memory_space<vmem>> -> memref<512xf32, #tpu.memory_space<vmem>>
    tpu.wait_dma2 semaphore(%arg6 : memref<!tpu.dma_semaphore, #tpu.memory_space<semaphore_mem>>) src(%dma_wait3A_194 : memref<512xf32, #tpu.memory_space<vmem>>) dst(%dma_wait3A_192 : memref<512xf32, #tpu.memory_space<hbm>>)
    %dma_wait3A_195 = arith.constant 1536 : i32
    %dma_wait3A_196 = tpu.memref_slice %arg5[%dma_wait3A_195] : memref<5632xf32, #tpu.memory_space<vmem>> -> memref<512xf32, #tpu.memory_space<vmem>>
    %dma_wait3A_197 = tpu.memref_slice %arg3[%add3A_122] : memref<180224xf32, #tpu.memory_space<hbm>> -> memref<512xf32, #tpu.memory_space<hbm>>
    %dma_wait3A_198 = tpu.memref_slice %arg3[%add3A_122] : memref<180224xf32, #tpu.memory_space<hbm>> -> memref<512xf32, #tpu.memory_space<hbm>>
    %dma_wait3A_199 = arith.constant 1536 : i32
    %dma_wait3A_200 = tpu.memref_slice %arg5[%dma_wait3A_199] : memref<5632xf32, #tpu.memory_space<vmem>> -> memref<512xf32, #tpu.memory_space<vmem>>
    tpu.wait_dma2 semaphore(%arg6 : memref<!tpu.dma_semaphore, #tpu.memory_space<semaphore_mem>>) src(%dma_wait3A_200 : memref<512xf32, #tpu.memory_space<vmem>>) dst(%dma_wait3A_198 : memref<512xf32, #tpu.memory_space<hbm>>)
    %dma_wait3A_201 = arith.constant 2048 : i32
    %dma_wait3A_202 = tpu.memref_slice %arg5[%dma_wait3A_201] : memref<5632xf32, #tpu.memory_space<vmem>> -> memref<512xf32, #tpu.memory_space<vmem>>
    %dma_wait3A_203 = tpu.memref_slice %arg3[%add3A_130] : memref<180224xf32, #tpu.memory_space<hbm>> -> memref<512xf32, #tpu.memory_space<hbm>>
    %dma_wait3A_204 = tpu.memref_slice %arg3[%add3A_130] : memref<180224xf32, #tpu.memory_space<hbm>> -> memref<512xf32, #tpu.memory_space<hbm>>
    %dma_wait3A_205 = arith.constant 2048 : i32
    %dma_wait3A_206 = tpu.memref_slice %arg5[%dma_wait3A_205] : memref<5632xf32, #tpu.memory_space<vmem>> -> memref<512xf32, #tpu.memory_space<vmem>>
    tpu.wait_dma2 semaphore(%arg6 : memref<!tpu.dma_semaphore, #tpu.memory_space<semaphore_mem>>) src(%dma_wait3A_206 : memref<512xf32, #tpu.memory_space<vmem>>) dst(%dma_wait3A_204 : memref<512xf32, #tpu.memory_space<hbm>>)
    %dma_wait3A_207 = arith.constant 2560 : i32
    %dma_wait3A_208 = tpu.memref_slice %arg5[%dma_wait3A_207] : memref<5632xf32, #tpu.memory_space<vmem>> -> memref<512xf32, #tpu.memory_space<vmem>>
    %dma_wait3A_209 = tpu.memref_slice %arg3[%add3A_138] : memref<180224xf32, #tpu.memory_space<hbm>> -> memref<512xf32, #tpu.memory_space<hbm>>
    %dma_wait3A_210 = tpu.memref_slice %arg3[%add3A_138] : memref<180224xf32, #tpu.memory_space<hbm>> -> memref<512xf32, #tpu.memory_space<hbm>>
    %dma_wait3A_211 = arith.constant 2560 : i32
    %dma_wait3A_212 = tpu.memref_slice %arg5[%dma_wait3A_211] : memref<5632xf32, #tpu.memory_space<vmem>> -> memref<512xf32, #tpu.memory_space<vmem>>
    tpu.wait_dma2 semaphore(%arg6 : memref<!tpu.dma_semaphore, #tpu.memory_space<semaphore_mem>>) src(%dma_wait3A_212 : memref<512xf32, #tpu.memory_space<vmem>>) dst(%dma_wait3A_210 : memref<512xf32, #tpu.memory_space<hbm>>)
    %dma_wait3A_213 = arith.constant 3072 : i32
    %dma_wait3A_214 = tpu.memref_slice %arg5[%dma_wait3A_213] : memref<5632xf32, #tpu.memory_space<vmem>> -> memref<512xf32, #tpu.memory_space<vmem>>
    %dma_wait3A_215 = tpu.memref_slice %arg3[%add3A_146] : memref<180224xf32, #tpu.memory_space<hbm>> -> memref<512xf32, #tpu.memory_space<hbm>>
    %dma_wait3A_216 = tpu.memref_slice %arg3[%add3A_146] : memref<180224xf32, #tpu.memory_space<hbm>> -> memref<512xf32, #tpu.memory_space<hbm>>
    %dma_wait3A_217 = arith.constant 3072 : i32
    %dma_wait3A_218 = tpu.memref_slice %arg5[%dma_wait3A_217] : memref<5632xf32, #tpu.memory_space<vmem>> -> memref<512xf32, #tpu.memory_space<vmem>>
    tpu.wait_dma2 semaphore(%arg6 : memref<!tpu.dma_semaphore, #tpu.memory_space<semaphore_mem>>) src(%dma_wait3A_218 : memref<512xf32, #tpu.memory_space<vmem>>) dst(%dma_wait3A_216 : memref<512xf32, #tpu.memory_space<hbm>>)
    %dma_wait3A_219 = arith.constant 3584 : i32
    %dma_wait3A_220 = tpu.memref_slice %arg5[%dma_wait3A_219] : memref<5632xf32, #tpu.memory_space<vmem>> -> memref<512xf32, #tpu.memory_space<vmem>>
    %dma_wait3A_221 = tpu.memref_slice %arg3[%add3A_154] : memref<180224xf32, #tpu.memory_space<hbm>> -> memref<512xf32, #tpu.memory_space<hbm>>
    %dma_wait3A_222 = tpu.memref_slice %arg3[%add3A_154] : memref<180224xf32, #tpu.memory_space<hbm>> -> memref<512xf32, #tpu.memory_space<hbm>>
    %dma_wait3A_223 = arith.constant 3584 : i32
    %dma_wait3A_224 = tpu.memref_slice %arg5[%dma_wait3A_223] : memref<5632xf32, #tpu.memory_space<vmem>> -> memref<512xf32, #tpu.memory_space<vmem>>
    tpu.wait_dma2 semaphore(%arg6 : memref<!tpu.dma_semaphore, #tpu.memory_space<semaphore_mem>>) src(%dma_wait3A_224 : memref<512xf32, #tpu.memory_space<vmem>>) dst(%dma_wait3A_222 : memref<512xf32, #tpu.memory_space<hbm>>)
    %dma_wait3A_225 = arith.constant 4096 : i32
    %dma_wait3A_226 = tpu.memref_slice %arg5[%dma_wait3A_225] : memref<5632xf32, #tpu.memory_space<vmem>> -> memref<512xf32, #tpu.memory_space<vmem>>
    %dma_wait3A_227 = tpu.memref_slice %arg3[%add3A_162] : memref<180224xf32, #tpu.memory_space<hbm>> -> memref<512xf32, #tpu.memory_space<hbm>>
    %dma_wait3A_228 = tpu.memref_slice %arg3[%add3A_162] : memref<180224xf32, #tpu.memory_space<hbm>> -> memref<512xf32, #tpu.memory_space<hbm>>
    %dma_wait3A_229 = arith.constant 4096 : i32
    %dma_wait3A_230 = tpu.memref_slice %arg5[%dma_wait3A_229] : memref<5632xf32, #tpu.memory_space<vmem>> -> memref<512xf32, #tpu.memory_space<vmem>>
    tpu.wait_dma2 semaphore(%arg6 : memref<!tpu.dma_semaphore, #tpu.memory_space<semaphore_mem>>) src(%dma_wait3A_230 : memref<512xf32, #tpu.memory_space<vmem>>) dst(%dma_wait3A_228 : memref<512xf32, #tpu.memory_space<hbm>>)
    %dma_wait3A_231 = arith.constant 4608 : i32
    %dma_wait3A_232 = tpu.memref_slice %arg5[%dma_wait3A_231] : memref<5632xf32, #tpu.memory_space<vmem>> -> memref<512xf32, #tpu.memory_space<vmem>>
    %dma_wait3A_233 = tpu.memref_slice %arg3[%add3A_170] : memref<180224xf32, #tpu.memory_space<hbm>> -> memref<512xf32, #tpu.memory_space<hbm>>
    %dma_wait3A_234 = tpu.memref_slice %arg3[%add3A_170] : memref<180224xf32, #tpu.memory_space<hbm>> -> memref<512xf32, #tpu.memory_space<hbm>>
    %dma_wait3A_235 = arith.constant 4608 : i32
    %dma_wait3A_236 = tpu.memref_slice %arg5[%dma_wait3A_235] : memref<5632xf32, #tpu.memory_space<vmem>> -> memref<512xf32, #tpu.memory_space<vmem>>
    tpu.wait_dma2 semaphore(%arg6 : memref<!tpu.dma_semaphore, #tpu.memory_space<semaphore_mem>>) src(%dma_wait3A_236 : memref<512xf32, #tpu.memory_space<vmem>>) dst(%dma_wait3A_234 : memref<512xf32, #tpu.memory_space<hbm>>)
    %dma_wait3A_237 = arith.constant 2048 : i32
    %dma_wait3A_238 = tpu.memref_slice %arg4[%dma_wait3A_237] : memref<3072xf32, #tpu.memory_space<vmem>> -> memref<512xf32, #tpu.memory_space<vmem>>
    %dma_wait3A_239 = tpu.memref_slice %arg3[%add3A_86] : memref<180224xf32, #tpu.memory_space<hbm>> -> memref<512xf32, #tpu.memory_space<hbm>>
    %dma_wait3A_240 = tpu.memref_slice %arg3[%add3A_86] : memref<180224xf32, #tpu.memory_space<hbm>> -> memref<512xf32, #tpu.memory_space<hbm>>
    %dma_wait3A_241 = arith.constant 2048 : i32
    %dma_wait3A_242 = tpu.memref_slice %arg4[%dma_wait3A_241] : memref<3072xf32, #tpu.memory_space<vmem>> -> memref<512xf32, #tpu.memory_space<vmem>>
    tpu.wait_dma2 semaphore(%arg6 : memref<!tpu.dma_semaphore, #tpu.memory_space<semaphore_mem>>) src(%dma_wait3A_242 : memref<512xf32, #tpu.memory_space<vmem>>) dst(%dma_wait3A_240 : memref<512xf32, #tpu.memory_space<hbm>>)
    return
  }
}

</mosaic_0001>

<sc_bundles>
// kernel: kernel.3.cloned.1.call-start
scs
__scs_entry_jumppad:
0x0: {  	(pc) =	sbr.rel $0x88, $3  }
0x1: {  	(tag) =	ssettag $0x0;
	lr =	simm.s32 $0x1  }
0x2: {  	[smem:$0x3FA0] =	sst lr;
	_ =	strace $0xD0000000  }
0x3: {  	_ = 	snop  }
0x4: {  	_ = 	snop  }
0x5: {  	_ = 	snop  }
0x6: {  	_ = 	snop  }
0x7: {  	_ = 	snop  }
__scs_overlays_trampoline_lowered:
0x8: {  	[smem:$0x3FAF] =	sst s0  }
0x9: {  	[smem:$0x3FB0] =	sst s1  }
0xa: {  	[smem:$0x3FB1] =	sst s2  }
0xb: {  	[smem:$0x3FB2] =	sst s3  }
0xc: {  	[smem:$0x3FB3] =	sst s4  }
0xd: {  	[smem:$0x3FB4] =	sst s5  }
0xe: {  	[smem:$0x3FB5] =	sst s6  }
0xf: {  	[smem:$0x3FB6] =	sst s7  }
0x10: {  	[smem:$0x3FB7] =	sst s8  }
0x11: {  	[smem:$0x3FB8] =	sst s9;
	s0 =	simm.s32 @!p0 $0x0  }
0x12: {  	s1 =	sld [smem:$0x3F9E];
	s0 =	simm.s32 @p0 $0x1  }
0x13: {  	[smem:$0x3FB9] =	sst s0;
	s0 =	simm.s32 @!p1 $0x0  }
0x14: {  	s2 =	sld [smem:$0x3F9D];
	s0 =	simm.s32 @p1 $0x1  }
0x15: {  	[smem:$0x3FBA] =	sst s0;
	s0 =	simm.s32 @!p2 $0x0  }
0x16: {  	s3 =	sld [smem:$0x3FDB];
	s0 =	simm.s32 @p2 $0x1  }
0x17: {  	s4 =	simm.s32 $0x1BF5;
	[smem:$0x3FBC] =	sst s0  }
0x18: {  	s0 =	sld [smem:$0x3F9F];
	_ =	swait.ge [sflag:s4], $0x0  }
0x19: {  	s7 =	sld [smem:$0x3FA0]  }
0x1a: {  	s8 =	sadd.s32 $0xFFFFE003, lr  }
0x1b: {  	s9 =	sadd.s32 $0xFFFFFEF7, lr;
	s5 =	simm.s32 $0xFFFFFFFF;
	p2 =	slt.u32 s8, $0xFFFFF086  }
0x1c: {  	p1 =	slt.u32 s9, $0xF7A;
	s5 =	simm.s32 @!p2 $0x0  }
0x1d: {  	s5 =	simm.s32 @p1 $0x1;
	p0 =	seq.s32 s7, s2  }
0x1e: {  	s7 =	smul.u32 @!p0 $0xF7A, s2;
	p2 =	seq.s32 @!p0 s5, $0x0  }
0x1f: {  	s9 =	smul.u32 $0xF7A, s1;
	s8 =	simm.s32 @!p0 $0x1BF5;
	p2 =	por !p2, p0  }
0x20: {  	[sflag:s8] =	ssyncset.s32 @!p0 $0xFFFFF086;
	s6 =	sadd.s32 @!p0 s3, s7;
	s7 =	simm.s32 @!p0 $0x108  }
0x21: {  	s3 =	sadd.s32 s3, s9;
	s6 =	sadd.s32 @!p0 $0x88, s6;
	s7 =	simm.s32 @p2 $0x1082  }
0x22: {  	[simem:s7], [sflag:s8] =	dma.local @!p0 [hbm:s6], $0xF7A  }
0x23: {  	s9 =	sor.u32 $0xD0000000, s2;
	s6 =	simm.s32 $0x108;
	_ =	swait.ge @!p0 [sflag:s8], $0x0  }
0x24: {  	s3 =	sadd.s32 $0x88, s3;
	s6 =	simm.s32 @!p1 $0x1082;
	[sflag:s4] =	ssyncset.s32 $0xFFFFF086  }
0x25: {  	[simem:s6], [sflag:s4] =	dma.local [hbm:s3], $0xF7A  }
0x26: {  	[smem:$0x3FA0] =	sst s1;
	(tag) =	ssettag s2;
	_ =	strace s9  }
0x27: {  	s1 =	sld [smem:$0x3FB0]  }
0x28: {  	s2 =	sld [smem:$0x3FB1]  }
0x29: {  	s4 =	sld [smem:$0x3FB3]  }
0x2a: {  	p0 =	seq.s32 s5, $0x0;
	s5 =	sld [smem:$0x3FB4]  }
0x2b: {  	s6 =	sld [smem:$0x3FB5]  }
0x2c: {  	s7 =	sld [smem:$0x3FB6]  }
0x2d: {  	s3 =	simm.s32 $0x108;
	s8 =	sld [smem:$0x3FB7]  }
0x2e: {  	s3 =	simm.s32 @!p0 $0x1082;
	s9 =	sld [smem:$0x3FB8]  }
0x2f: {  	lr =	sadd.s32 s0, s3;
	s0 =	sld [smem:$0x3FAF]  }
0x30: {  	s3 =	sld [smem:$0x3FB2]  }
0x31: {  	[smem:$0x3FBB] =	sst s10  }
0x32: {  	s10 =	sld [smem:$0x3FB9];
	_ =	sdelay $0x3  }
0x33: {  	p0 =	seq.s32 s10, $0x1;
	s10 =	sld [smem:$0x3FBB];
	_ =	sdelay $0x3  }
0x34: {  	[smem:$0x3FBB] =	sst s10  }
0x35: {  	s10 =	sld [smem:$0x3FBA];
	_ =	sdelay $0x3  }
0x36: {  	p1 =	seq.s32 s10, $0x1;
	s10 =	sld [smem:$0x3FBB];
	_ =	sdelay $0x3  }
0x37: {  	[smem:$0x3FBB] =	sst s10  }
0x38: {  	s10 =	sld [smem:$0x3FBC]  }
0x39: {  	_ = 	snop;
	(pc) =	sbr.ind lr, $3  }
0x3a: {  	_ = 	snop  }
0x3b: {  	_ = 	snop  }
0x3c: {  	p2 =	seq.s32 s10, $0x1;
	s10 =	sld [smem:$0x3FBB]  }
0x3d: {  	_ =	shalt  }
0x3e: {  	_ =	shalt  }
0x3f: {  	_ =	shalt  }
0x40: {  	_ =	shalt  }
0x41: {  	_ =	shalt  }
0x42: {  	_ =	shalt  }
0x43: {  	_ =	shalt  }
0x44: {  	_ =	shalt  }
0x45: {  	_ =	shalt  }
0x46: {  	_ =	shalt  }
0x47: {  	_ =	shalt  }
0x48: {  	_ =	shalt  }
0x49: {  	_ =	shalt  }
0x4a: {  	_ =	shalt  }
0x4b: {  	_ =	shalt  }
0x4c: {  	_ =	shalt  }
0x4d: {  	_ =	shalt  }
0x4e: {  	_ =	shalt  }
0x4f: {  	_ =	shalt  }
0x50: {  	_ =	shalt  }
0x51: {  	_ =	shalt  }
0x52: {  	_ =	shalt  }
0x53: {  	_ =	shalt  }
0x54: {  	_ =	shalt  }
0x55: {  	_ =	shalt  }
0x56: {  	_ =	shalt  }
0x57: {  	_ =	shalt  }
0x58: {  	_ =	shalt  }
0x59: {  	_ =	shalt  }
0x5a: {  	_ =	shalt  }
0x5b: {  	_ =	shalt  }
0x5c: {  	_ =	shalt  }
0x5d: {  	_ =	shalt  }
0x5e: {  	_ =	shalt  }
0x5f: {  	_ =	shalt  }
0x60: {  	_ =	shalt  }
0x61: {  	_ =	shalt  }
0x62: {  	_ =	shalt  }
0x63: {  	_ =	shalt  }
0x64: {  	_ =	shalt  }
0x65: {  	_ =	shalt  }
0x66: {  	_ =	shalt  }
0x67: {  	_ =	shalt  }
0x68: {  	_ =	shalt  }
0x69: {  	_ =	shalt  }
0x6a: {  	_ =	shalt  }
0x6b: {  	_ =	shalt  }
0x6c: {  	_ =	shalt  }
0x6d: {  	_ =	shalt  }
0x6e: {  	_ =	shalt  }
0x6f: {  	_ =	shalt  }
0x70: {  	_ =	shalt  }
0x71: {  	_ =	shalt  }
0x72: {  	_ =	shalt  }
0x73: {  	_ =	shalt  }
0x74: {  	_ =	shalt  }
0x75: {  	_ =	shalt  }
0x76: {  	_ =	shalt  }
0x77: {  	_ =	shalt  }
0x78: {  	_ =	shalt  }
0x79: {  	_ =	shalt  }
0x7a: {  	_ =	shalt  }
0x7b: {  	_ =	shalt  }
0x7c: {  	_ =	shalt  }
0x7d: {  	_ =	shalt  }
0x7e: {  	_ =	shalt  }
0x7f: {  	_ =	shalt  }
0x80: {  	_ =	shalt  }
0x81: {  	_ =	shalt  }
0x82: {  	_ =	shalt  }
0x83: {  	_ =	shalt  }
0x84: {  	_ =	shalt  }
0x85: {  	_ =	shalt  }
0x86: {  	_ =	shalt  }
0x87: {  	_ =	shalt  }
.Lfunc_end0:
.L_simem_size_0:
called_computation_lowered:
.L_overlay_start_0:
0x88: {  	s2 =	sld [smem:$0x3FD9]  }
0x89: {  	s3 =	sld [smem:$0x3FFE];
	_ =	sdelay $0x1  }
0x8a: {  	s1 =	srdreg.scid  }
0x8b: {  	s0 =	sand.u32 $0x1, s1  }
0x8c: {  	s18 =	sshll.u32 s0, $0xA;
	s2 =	sadd.s32 s3, s2  }
0x8d: {  	s2 =	sadd.s32 s2, s18  }
0x8e: {  	[smem:$0x3FC7] =	sst s2  }
0x8f: {  	_ = 	snop  }
0x90: {  	s2 =	sld [smem:$0x3FC9]  }
0x91: {  	s19 =	sld [smem:$0x3FD0];
	(tm) =	ssettm $0x1  }
0x92: {  	s4 =	sld [smem:$0x3FFB];
	_ =	sdelay $0x3  }
0x93: {  	_ =	strace s4  }
0x94: {  	s4 =	sld [smem:$0x3FFC];
	_ =	sdelay $0x3  }
0x95: {  	_ =	strace s4  }
0x96: {  	s4 =	sld [smem:$0x3FFD];
	_ =	sdelay $0x3  }
0x97: {  	_ =	strace s4  }
0x98: {  	_ =	strace $0x8FFFFFFF  }
0x99: {  	s20 =	sld [smem:$0x3FDB];
	_ =	sdelay $0x1  }
0x9a: {  	s5 =	simm.s32 $_scs_section_size  }
0x9b: {  	s6 =	simm.s32 $_size__tile_overlayer_lowered;
	s7 =	simm.s32 $_tile_overlayer_lowered  }
0x9c: {  	s23 =	simm.s32 $0x1BFF;
	s22 =	sshll.u32 s7, $0x1;
	s4 =	sadd.s32 s5, s20  }
0x9d: {  	s8 =	simm.s32 $0x0;
	s21 =	sshll.u32 s6, $0x1;
	s6 =	sadd.s32 s22, s4  }
0x9e: {  	[timem:s8], [sflag:s23] =	dma.local [hbm:s6], s21  }
0x9f: {  	_ =	swait.ge [sflag:s23], s21  }
0xa0: {  	s5 =	ssub.s32 $0x0, s21;
	[sflag:s23] =	ssyncset.done $0x0  }
0xa1: {  	[sflag:s23] =	ssyncadd.s32 s5;
	_ =	sdelay $0x1  }
0xa2: {  	s24 =	simm.s32 $0x1B8B  }
0xa3: {  	_ =	swait.ge [sflag:s24], $0x1  }
0xa4: {  	[sflag:s24] =	ssyncset.done $0x0  }
0xa5: {  	s25 =	simm.s32 $0x1B8E;
	[sflag:s24] =	ssyncadd.s32 $0xFFFFFFFF  }
0xa6: {  	s26 =	simm.s32 $execute0_lowered;
	[smem:$0x3FD2] =	sst s25  }
0xa7: {  	s5 =	sshll.u32 s26, $0x1;
	_ =	strace $0x80000046;
	[dreg:$0x1] =	wrdreg $0xFFFFFFFF  }
0xa8: {  	s28 =	simm.s32 $_size_execute0_lowered;
	s4 =	sadd.s32 s4, s5;
	[dreg:$0x0] =	wrdreg $0x0  }
0xa9: {  	s5 =	sshll.u32 s28, $0x1;
	[dreg:$0x2] =	wrdreg s4  }
0xaa: {  	[dreg:$0x3] =	wrdreg s5  }
0xab: {  	[dreg:$0x4] =	wrdreg $0xC0  }
0xac: {  	_ =	task [dreg:s8], $0x5FFFF  }
0xad: {  	[dreg:$0x1] =	wrdreg $0xFFFFFFFF  }
0xae: {  	[dreg:$0x0] =	wrdreg $0x60  }
0xaf: {  	[dreg:$0x2] =	wrdreg s2  }
0xb0: {  	[dreg:$0x3] =	wrdreg s19  }
0xb1: {  	[dreg:$0x4] =	wrdreg $0x9  }
0xb2: {  	_ =	task.clear_ibuf [dreg:s8], $0x5FFFF;
	_ =	strace $0x90000046  }
0xb3: {  	s29 =	simm.s32 $0x9;
	_ =	strace $0x80000048  }
0xb4: {  	_ =	swait.ge [sflag:s29], $0x1  }
0xb5: {  	[sflag:s29] =	ssyncadd.s32 $0xFFFFFFFF  }
0xb6: {  	_ =	strace $0x90000048  }
0xb7: {  	_ =	sfence  }
0xb8: {  	s30 =	sld [smem:$0x0];
	_ =	sdelay $0x2  }
0xb9: {  	s31 =	sshll.u32 s1, $0xD;
	s1 =	sshrl.u32 s1, $0x2  }
0xba: {  	s3 =	sand.u32 $0x4000, s31;
	s1 =	sadd.s32 s1, s30  }
0xbb: {  	s0 =	sor.u32 s3, s0;
	s1 =	sshll.u32 s1, $0x11  }
0xbc: {  	s0 =	sor.u32 s1, s0  }
0xbd: {  	s0 =	sadd.s32 $0x8F2B, s0  }
0xbe: {  	[sflag:s0] =	ssyncadd.remote.s32 $0x1  }
0xbf: {  	_ =	sfence.sel $0xFFFF  }
0xc0: {  	[dreg:$0x0] =	wrdreg $0xFFFFFFFF;
	(pc) =	sbr.abs _section_cstart, $3  }
0xc1: {  	[dreg:$0x1] =	wrdreg $0xFFFFFFFF  }
0xc2: {  	_ =	task.clear_ibuf [dreg:s8], $0x2FFFF;
	_ =	strace $0x9FFFFFFF  }
0xc3: {  	(tm) =	ssettm $0x7FFFFFFF  }
tec
execute0_lowered:
.L_overlay_start_1:
0x0: {  	(tag) =	ssettag $0x1  }
0x1: {  	s0 =	rddreg [dreg:$0x0]  }
0x2: {  	s1 =	rddreg [dreg:$0x1]  }
0x3: {  	s3 =	srdreg.scid;
	s2 =	simm.s32 $0x0;
	s6 =	stileid.u32  }
0x4: {  	s23 =	simm.s32 $0x800;
	s25 =	simm.s32 $0x1;
	s30 =	simm.s32 $0x1200  }
0x5: {  	s21 =	simm.s32 $0x1A00;
	s22 =	simm.s32 $0x1C00;
	s24 =	simm.s32 $0x1E00  }
0x6: {  	s26 =	simm.s32 $0x0;
	s3 =	sand.u32 $0x1, s3;
	[smem:$0x7FF] =	sst s2  }
0x7: {  	s6 =	sshll.u32 s6, $0x7;
	s4 =	ssub.s32 $0x2, s3;
	s3 =	sshll.u32 s3, $0x6  }
0x8: {  	_ =	strace $0x80000047;
	s5 =	sshrl.u32 s4, $0x1;
	s9 =	sor.u32 s3, s6  }
0x9: {  	s20 =	ssub.s32 s4, s5;
	s3 =	sadd.s32 s0, s9;
	s11 =	sor.u32 $0x800, s9  }
0xa: {  	s12 =	sor.u32 $0x1000, s9;
	s13 =	sor.u32 $0x1800, s9;
	s14 =	sor.u32 $0x2000, s9  }
0xb: {  	s15 =	sor.u32 $0x2800, s9;
	s9 =	sadd.s32 s1, s9;
	s4 =	sadd.s32 s0, s11  }
0xc: {  	s5 =	sadd.s32 s0, s12;
	s6 =	sadd.s32 s0, s13;
	s7 =	sadd.s32 s0, s14  }
0xd: {  	s8 =	sadd.s32 s0, s15;
	s10 =	sadd.s32 $0x5000, s9;
	s11 =	sadd.s32 s1, s11  }
0xe: {  	s12 =	sadd.s32 s1, s12;
	s13 =	sadd.s32 s1, s13;
	s14 =	sadd.s32 s1, s14  }
0xf: {  	s15 =	sadd.s32 s1, s15;
	s16 =	sadd.s32 $0x3000, s9;
	s17 =	sadd.s32 $0x3800, s9  }
0x10: {  	v0 =	vimm.s32 $0x0;
	s18 =	sadd.s32 $0x4000, s9;
	s19 =	sadd.s32 $0x4800, s9;
	s20 =	smax.u32 s20, $0x1  }
.LBB2_1:
0x11: {  	[tilespmem:s2], [sflag:$0x1] =	stream.linear.gather [hbm4b:s3+s2], $0x200, $0x38;
	[tilespmem:$0x2200] =	vst v63  }
0x12: {  	s0 =	simm.s32 $0x200  }
0x13: {  	[tilespmem:s0], [sflag:$0x1] =	stream.linear.gather [hbm4b:s4+s2], $0x200, $0x38;
	[tilespmem:$0x2200] =	vst v63  }
0x14: {  	s1 =	simm.s32 $0x400  }
0x15: {  	[tilespmem:s1], [sflag:$0x1] =	stream.linear.gather [hbm4b:s5+s2], $0x200, $0x38;
	[tilespmem:$0x2200] =	vst v63  }
0x16: {  	s0 =	simm.s32 $0x600  }
0x17: {  	[tilespmem:s0], [sflag:$0x1] =	stream.linear.gather [hbm4b:s6+s2], $0x200, $0x38;
	[tilespmem:$0x2200] =	vst v63  }
0x18: {  	_ = 	snop  }
0x19: {  	[tilespmem:s23], [sflag:$0x1] =	stream.linear.gather [hbm4b:s7+s2], $0x200, $0x38;
	[tilespmem:$0x2200] =	vst v63  }
0x1a: {  	s1 =	simm.s32 $0xA00  }
0x1b: {  	[tilespmem:s1], [sflag:$0x1] =	stream.linear.gather [hbm4b:s8+s2], $0x200, $0x38;
	[tilespmem:$0x2200] =	vst v63  }
0x1c: {  	_ =	swait.ge [sflag:s25], $0x200  }
0x1d: {  	[sflag:s25] =	ssyncset.done $0x0  }
0x1e: {  	[sflag:s25] =	ssyncadd.s32 $0xFFFFFE00  }
0x1f: {  	_ =	swait.ge [sflag:s25], $0x200  }
0x20: {  	[sflag:s25] =	ssyncset.done $0x0  }
0x21: {  	[sflag:s25] =	ssyncadd.s32 $0xFFFFFE00  }
0x22: {  	_ =	swait.ge [sflag:s25], $0x200  }
0x23: {  	[sflag:s25] =	ssyncset.done $0x0  }
0x24: {  	[sflag:s25] =	ssyncadd.s32 $0xFFFFFE00  }
0x25: {  	_ =	swait.ge [sflag:s25], $0x200  }
0x26: {  	[sflag:s25] =	ssyncset.done $0x0  }
0x27: {  	[sflag:s25] =	ssyncadd.s32 $0xFFFFFE00  }
0x28: {  	_ =	swait.ge [sflag:s25], $0x200  }
0x29: {  	[sflag:s25] =	ssyncset.done $0x0  }
0x2a: {  	[sflag:s25] =	ssyncadd.s32 $0xFFFFFE00  }
0x2b: {  	_ =	swait.ge [sflag:s25], $0x200  }
0x2c: {  	[sflag:s25] =	ssyncset.done $0x0  }
0x2d: {  	[sflag:s25] =	ssyncadd.s32 $0xFFFFFE00  }
0x2e: {  	[hbm4b:s10+s2] =	stream.linear.scatter [tilespmem:s23], [sflag:$0x1], $0x200, $0x38;
	[tilespmem:$0x2200] =	vst v63  }
0x2f: {  	v2 =	vld [tilespmem:s0+$0x400]  }
0x30: {  	v4 =	vld [tilespmem:s0+$0xFFFFFE00]  }
0x31: {  	s1 =	simm.s32 $0x610;
	v3 =	vld [tilespmem:s0+$0xFFFFFA00]  }
0x32: {  	v7 =	vld [tilespmem:s1+$0x400];
	_ =	sdelay $0x1  }
0x33: {  	v5 =	vld [tilespmem:s0+$0x0];
	v2 =	vtrunc.f32 v2  }
0x34: {  	v6 =	vld [tilespmem:s0+$0xFFFFFC00];
	v4 =	vmul.f32 $7.812500000e-03, v4;
	v2 =	vcvt.f32.s32 v2  }
0x35: {  	v1 =	vld [tilespmem:s0+$0x200];
	v8 =	vmul.f32 $7.812500000e-03, v3  }
0x36: {  	[tilespmem:s30+$0xFFFFFE00] =	vst v4;
	v4 =	vtrunc.f32 v7;
	vm0 =	vgt.s32 v2, $0x2;
	vm1 =	vgt.s32 v2, $0x5  }
0x37: {  	v10 =	vld [tilespmem:s1+$0xFFFFFA00];
	vm2 =	vgt.s32 v2, $0x0;
	v4 =	vcvt.f32.s32 v4;
	v3 =	vsel vm0, $0x1, v0  }
0x38: {  	v9 =	vsel vm1, $0x1, v0;
	v11 =	vnsel vm2, $0x0, v2;
	v2 =	vmul.f32 $7.812500000e-03, v5  }
0x39: {  	vm0 =	vmxor vm0, vm1;
	v5 =	vmul.f32 $7.812500000e-03, v6;
	v3 =	vadd.s32 v9, v3  }
0x3a: {  	v12 =	vnsel vm0, $0x0, v1;
	v6 =	vmul.u32 $0xFFFFFFFD, v3;
	[tilespmem:s30+$0x0] =	vst v2;
	v2 =	vld [tilespmem:s1+$0x200]  }
0x3b: {  	v7 =	vmin.u32 v11, $0x8;
	v11 =	vnsel vm1, $0x0, v1;
	vm1 =	vgt.s32 v4, $0x2;
	[tilespmem:s30+$0xFFFFFC00] =	vst v5;
	v5 =	vld [tilespmem:s1+$0xFFFFFE00]  }
0x3c: {  	[tilespmem:s30+$0xFFFFFA00] =	vst v8;
	vm0 =	veq.s32 v3, $0x0;
	v3 =	vmul.f32 $7.812500000e-03, v10;
	v10 =	vadd.s32 v7, v6;
	v6 =	vld [tilespmem:s1+$0xFFFFFC00]  }
0x3d: {  	s28 =	simm.s32 $0x0;
	s29 =	simm.s32 $0x10;
	s31 =	simm.s32 $0x1200;
	v8 =	vld [tilespmem:s1+$0x0];
	[tilespmem:s30+$0x400] =	vst v12;
	v13 =	vnsel vm0, $0x0, v1;
	vm0 =	vgt.s32 v4, $0x5;
	vm2 =	veq.s32 v10, $0x2  }
0x3e: {  	s0 =	simm.s32 $0x620;
	v7 =	vsel vm1, $0x1, v0;
	v9 =	vsel vm0, $0x1, v0;
	[tilespmem:s30+$0x200] =	vst v13;
	s1 =	sand.u32 $0x1F0, s28;
	s28 =	simm.s32 $0x10;
	v12 =	vnsel vm2, $0x0, v1  }
.LBB2_2:
0x3f: {  	s29 =	sadd.s32 $0x10, s29;
	v13 =	vld [tilespmem:s0+$0x400];
	vm2 =	vgt.s32 v4, $0x0;
	vm3 =	veq.s32 v10, $0x0;
	vm4 =	veq.s32 v10, $0x1;
	[tilespmem:s1+$0x1800] =	vst v11;
	s31 =	sadd.s32 $0x10, s31  }
0x40: {  	p0 =	slt.u32 s29, $0x1F0;
	v10 =	vnsel vm2, $0x0, v4;
	v4 =	vnsel vm3, $0x0, v1;
	v11 =	vnsel vm4, $0x0, v1;
	[tilespmem:s1+$0x1E00] =	vst v12;
	v1 =	vmovc v2  }
0x41: {  	vm1 =	vmxor vm1, vm0;
	v2 =	vmul.f32 $7.812500000e-03, v5;
	v12 =	vld [tilespmem:s0+$0xFFFFFA00];
	v6 =	vmul.f32 $7.812500000e-03, v6;
	[tilespmem:s1+$0x1C00] =	vst v11  }
0x42: {  	v14 =	vnsel vm1, $0x0, v1;
	v5 =	vmul.f32 $7.812500000e-03, v8;
	[tilespmem:s1+$0x1A00] =	vst v4  }
0x43: {  	v4 =	vadd.s32 v9, v7;
	[tilespmem:s31+$0xFFFFFE00] =	vst v2  }
.Ltmp0:
0x44: {  	v8 =	vmul.u32 $0xFFFFFFFD, v4;
	vm1 =	veq.s32 v4, $0x0;
	v2 =	vld [tilespmem:s0+$0x200];
	v7 =	vtrunc.f32 v13;
	[tilespmem:s31+$0x0] =	vst v5;
	(pc) =	sbr.rel @p0 .LBB2_2-.Ltmp0, $4  }
0x45: {  	v13 =	vnsel vm1, $0x0, v1;
	v5 =	vld [tilespmem:s0+$0xFFFFFE00];
	v4 =	vcvt.f32.s32 v7;
	v7 =	vmin.u32 v10, $0x8;
	[tilespmem:s31+$0xFFFFFC00] =	vst v6  }
0x46: {  	v11 =	vnsel vm0, $0x0, v1;
	v6 =	vld [tilespmem:s0+$0xFFFFFC00];
	v10 =	vadd.s32 v7, v8;
	[tilespmem:s31+$0xFFFFFA00] =	vst v3;
	v3 =	vmul.f32 $7.812500000e-03, v12  }
0x47: {  	v8 =	vld [tilespmem:s0+$0x0];
	vm1 =	vgt.s32 v4, $0x2;
	vm0 =	vgt.s32 v4, $0x5;
	vm2 =	veq.s32 v10, $0x2;
	[tilespmem:s31+$0x400] =	vst v14  }
0x48: {  	s1 =	sand.u32 $0x1F0, s28;
	s28 =	smov.u32 s29;
	s0 =	sadd.s32 $0x10, s0;
	v7 =	vsel vm1, $0x1, v0;
	v9 =	vsel vm0, $0x1, v0;
	v12 =	vnsel vm2, $0x0, v1;
	[tilespmem:s31+$0x200] =	vst v13  }
0x49: {  	[tilespmem:s1+$0x1800] =	vst v11  }
0x4a: {  	vm2 =	veq.s32 v10, $0x1;
	[tilespmem:s1+$0x1E00] =	vst v12;
	s0 =	sadd.s32 $0x10, s31  }
0x4b: {  	vm3 =	veq.s32 v10, $0x0;
	v59 =	vnsel vm2, $0x0, v1;
	[tilespmem:s0+$0xFFFFFA00] =	vst v3  }
0x4c: {  	vm1 =	vmxor vm1, vm0;
	v1 =	vnsel vm3, $0x0, v1;
	[tilespmem:s1+$0x1C00] =	vst v59  }
0x4d: {  	v62 =	vnsel vm1, $0x0, v2;
	[tilespmem:s1+$0x1A00] =	vst v1;
	v1 =	vmul.f32 $7.812500000e-03, v8  }
0x4e: {  	vm11 =	vgt.s32 v4, $0x0;
	v60 =	vadd.s32 v9, v7;
	v5 =	vmul.f32 $7.812500000e-03, v5;
	[tilespmem:s0+$0x400] =	vst v62  }
0x4f: {  	v61 =	vmul.u32 $0xFFFFFFFD, v60;
	vm12 =	veq.s32 v60, $0x0;
	[tilespmem:s0+$0x0] =	vst v1;
	v1 =	vnsel vm11, $0x0, v4  }
0x50: {  	v6 =	vmul.f32 $7.812500000e-03, v6;
	v3 =	vnsel vm12, $0x0, v2;
	[tilespmem:s0+$0xFFFFFE00] =	vst v5;
	v1 =	vmin.u32 v1, $0x8  }
0x51: {  	[tilespmem:s0+$0x200] =	vst v3;
	v1 =	vadd.s32 v1, v61  }
0x52: {  	s28 =	sand.u32 $0x1F0, s28;
	v3 =	vnsel vm0, $0x0, v2;
	[tilespmem:s0+$0xFFFFFC00] =	vst v6;
	vm13 =	veq.s32 v1, $0x2  }
0x53: {  	[tilespmem:s28+$0x1800] =	vst v3;
	vm14 =	veq.s32 v1, $0x1;
	v63 =	vnsel vm13, $0x0, v2  }
0x54: {  	vm15 =	veq.s32 v1, $0x0;
	v1 =	vnsel vm14, $0x0, v2;
	[tilespmem:s28+$0x1E00] =	vst v63  }
0x55: {  	v2 =	vnsel vm15, $0x0, v2;
	[tilespmem:s28+$0x1C00] =	vst v1  }
0x56: {  	s29 =	simm.s32 $0xC00;
	[tilespmem:s28+$0x1A00] =	vst v2  }
0x57: {  	[hbm4b:s9+s2] =	stream.linear.scatter [tilespmem:s29], [sflag:$0x1], $0x200, $0x38;
	[tilespmem:$0x2200] =	vst v63  }
0x58: {  	s31 =	simm.s32 $0xE00  }
0x59: {  	[hbm4b:s11+s2] =	stream.linear.scatter [tilespmem:s31], [sflag:$0x1], $0x200, $0x38;
	[tilespmem:$0x2200] =	vst v63  }
0x5a: {  	s1 =	simm.s32 $0x1000  }
0x5b: {  	[hbm4b:s12+s2] =	stream.linear.scatter [tilespmem:s1], [sflag:$0x1], $0x200, $0x38;
	[tilespmem:$0x2200] =	vst v63  }
0x5c: {  	_ = 	snop  }
0x5d: {  	[hbm4b:s13+s2] =	stream.linear.scatter [tilespmem:s30], [sflag:$0x1], $0x200, $0x38;
	[tilespmem:$0x2200] =	vst v63  }
0x5e: {  	s28 =	simm.s32 $0x1400  }
0x5f: {  	[hbm4b:s14+s2] =	stream.linear.scatter [tilespmem:s28], [sflag:$0x1], $0x200, $0x38;
	[tilespmem:$0x2200] =	vst v63  }
0x60: {  	s29 =	simm.s32 $0x1600  }
0x61: {  	[hbm4b:s15+s2] =	stream.linear.scatter [tilespmem:s29], [sflag:$0x1], $0x200, $0x38;
	[tilespmem:$0x2200] =	vst v63  }
0x62: {  	s31 =	simm.s32 $0x1800  }
0x63: {  	[hbm4b:s16+s2] =	stream.linear.scatter [tilespmem:s31], [sflag:$0x1], $0x200, $0x38;
	[tilespmem:$0x2200] =	vst v63  }
0x64: {  	_ = 	snop  }
0x65: {  	[hbm4b:s17+s2] =	stream.linear.scatter [tilespmem:s21], [sflag:$0x1], $0x200, $0x38;
	[tilespmem:$0x2200] =	vst v63  }
0x66: {  	_ = 	snop  }
0x67: {  	[hbm4b:s18+s2] =	stream.linear.scatter [tilespmem:s22], [sflag:$0x1], $0x200, $0x38;
	[tilespmem:$0x2200] =	vst v63  }
0x68: {  	_ = 	snop  }
0x69: {  	[hbm4b:s19+s2] =	stream.linear.scatter [tilespmem:s24], [sflag:$0x1], $0x200, $0x38;
	[tilespmem:$0x2200] =	vst v63  }
0x6a: {  	_ =	swait.ge [sflag:s25], $0x200  }
0x6b: {  	[sflag:s25] =	ssyncset.done $0x0  }
0x6c: {  	[sflag:s25] =	ssyncadd.s32 $0xFFFFFE00  }
0x6d: {  	_ =	swait.ge [sflag:s25], $0x200  }
0x6e: {  	[sflag:s25] =	ssyncset.done $0x0  }
0x6f: {  	[sflag:s25] =	ssyncadd.s32 $0xFFFFFE00  }
0x70: {  	_ =	swait.ge [sflag:s25], $0x200  }
0x71: {  	[sflag:s25] =	ssyncset.done $0x0  }
0x72: {  	[sflag:s25] =	ssyncadd.s32 $0xFFFFFE00  }
0x73: {  	_ =	swait.ge [sflag:s25], $0x200  }
0x74: {  	[sflag:s25] =	ssyncset.done $0x0  }
0x75: {  	[sflag:s25] =	ssyncadd.s32 $0xFFFFFE00  }
0x76: {  	_ =	swait.ge [sflag:s25], $0x200  }
0x77: {  	[sflag:s25] =	ssyncset.done $0x0  }
0x78: {  	[sflag:s25] =	ssyncadd.s32 $0xFFFFFE00  }
0x79: {  	_ =	swait.ge [sflag:s25], $0x200  }
0x7a: {  	[sflag:s25] =	ssyncset.done $0x0  }
0x7b: {  	[sflag:s25] =	ssyncadd.s32 $0xFFFFFE00  }
0x7c: {  	_ =	swait.ge [sflag:s25], $0x200  }
0x7d: {  	[sflag:s25] =	ssyncset.done $0x0  }
0x7e: {  	[sflag:s25] =	ssyncadd.s32 $0xFFFFFE00  }
0x7f: {  	_ =	swait.ge [sflag:s25], $0x200  }
0x80: {  	[sflag:s25] =	ssyncset.done $0x0  }
0x81: {  	[sflag:s25] =	ssyncadd.s32 $0xFFFFFE00  }
0x82: {  	_ =	swait.ge [sflag:s25], $0x200  }
0x83: {  	[sflag:s25] =	ssyncset.done $0x0  }
0x84: {  	s26 =	sadd.s32 $0x1, s26;
	[sflag:s25] =	ssyncadd.s32 $0xFFFFFE00  }
0x85: {  	p0 =	sne.s32 s26, s20;
	_ =	swait.ge [sflag:s25], $0x200  }
.Ltmp1:
0x86: {  	[sflag:s25] =	ssyncset.done $0x0;
	(pc) =	sbr.rel @p0 .LBB2_1-.Ltmp1, $4  }
0x87: {  	[sflag:s25] =	ssyncadd.s32 $0xFFFFFE00  }
0x88: {  	_ =	swait.ge [sflag:s25], $0x200  }
0x89: {  	[sflag:s25] =	ssyncset.done $0x0  }
0x8a: {  	[sflag:s25] =	ssyncadd.s32 $0xFFFFFE00  }
0x8b: {  	_ =	sfence.sel $0x180000  }
0x8c: {  	[bflag:$0x0] =	sbarrier.arrive $0xFFFF  }
0x8d: {  	_ =	strace $0x90000047  }
0x8e: {  	s0 =	stileid.u32;
	[bflag:$0x2] =	sbarrier.arrive $0xFFFF  }
0x8f: {  	p0 =	sne.s32 s0, $0x0;
	s0 =	rddreg [dreg:$0x2]  }
0x90: {  	s0 =	sadd.s32 @!p0 $0x100000, s0  }
0x91: {  	[sflag:s0] =	ssyncadd.tile.s32 @!p0 $0x1;
	_ =	shalt  }
.Lfunc_end2:
_tile_overlayer_lowered:
.L_overlay_start_2:
0x92: {  	(tag) =	ssettag $0x2  }
0x93: {  	s0 =	rddreg [dreg:$0x0];
	s2 =	stileid.u32  }
0x94: {  	s1 =	rddreg [dreg:$0x1];
	p0 =	sne.s32 s2, $0x0  }
0x95: {  	s3 =	rddreg [dreg:$0x2];
	[bflag:$0x3] =	sbarrier.arrive $0xFFFF;
	s2 =	simm.s32 @!p0 $0x1C02  }
0x96: {  	[timem:s3], [sflag:s2] =	dma.local @!p0 [hbm:s0], s1  }
0x97: {  	s0 =	simm.s32 @!p0 $0x2  }
0x98: {  	_ =	swait.ge @!p0 [sflag:s0], s1  }
0x99: {  	s1 =	ssub.s32 @!p0 $0x0, s1;
	[sflag:s0] =	ssyncset.done @!p0 $0x0  }
0x9a: {  	[sflag:s0] =	ssyncadd.s32 @!p0 s1  }
0x9b: {  	[bflag:$0x3] =	sbarrier.arrive $0xFFFF  }
0x9c: {  	_ =	shalt  }

</sc_bundles>
